<compile_context>
chip_gen: v7x
topology: tpu7x:2x2x1
jax: 0.10.2.dev20260603
libtpu: 0.0.44.dev20260713+nightly
codegen_flags: <defaults>
</compile_context>

<pallas_src>
import functools

import jax
import jax.numpy as jnp
from jax import lax
from jax.experimental import pallas as pl
from jax.experimental.pallas import tpu as pltpu
from jax.experimental.pallas import tpu_sc as plsc

F32 = jnp.float32
N, C, PP = 3136, 96, 16
GPAD = 3584
TEMP = 0.001
G8 = 8
NROW2 = N * PP


def _unfold_pool_body(t_ref, r_ref, a_ref, tf_ref, rf_ref, af_ref,
                      x1_ref, x2_ref):
    ys = []
    for src, dst in ((t_ref, tf_ref), (r_ref, rf_ref), (a_ref, af_ref)):
        z = src[...].reshape(C, 4 * 224)
        zt = jnp.swapaxes(z, 0, 1)
        y = zt.reshape(4, 56, 4, C).transpose(1, 0, 2, 3)
        dst[...] = y
        ys.append(y)
    for y, dst in ((ys[0], x1_ref), (ys[1], x2_ref)):
        acc = y[:, 0, 0, :]
        for u in range(4):
            for v in range(4):
                if u or v:
                    acc = acc + y[:, u, v, :]
        dst[...] = acc * (1.0 / PP)


def _dist_body(x1_ref, x2_ref, idx_ref):
    x1 = x1_ref[...]
    x2 = x2_ref[...]
    x1n = jnp.sum(x1 * x1, axis=1, keepdims=True)
    x2n = jnp.sum(x2 * x2, axis=1)
    g = lax.dot_general(x1.astype(jnp.bfloat16), x2.astype(jnp.bfloat16),
                        (((1,), (1,)), ((), ())),
                        preferred_element_type=F32)
    d2 = x1n + x2n[None, :] - 2.0 * g
    d = jnp.sqrt(jnp.clip(d2, 1e-30, None))
    rows = lax.broadcasted_iota(jnp.int32, d.shape, 0)
    m = jnp.min(d, axis=0, keepdims=True)
    cand = jnp.where(d <= m, rows, jnp.int32(2**30))
    idx_ref[0, 0, :] = jnp.clip(jnp.min(cand, axis=0), 0, N - 1)


def _combine_body(t_ref, r_ref, a_ref, o_ref):
    T = t_ref[...]
    Rr = r_ref[...]
    A = a_ref[...]
    tn = jnp.sum(T * T, axis=1, keepdims=True)
    rn = jnp.sum(Rr * Rr, axis=1)
    nt = (((1,), (1,)), ((), ()))
    thi = T.astype(jnp.bfloat16)
    tlo = (T - thi.astype(F32)).astype(jnp.bfloat16)
    rhi = Rr.astype(jnp.bfloat16)
    rlo = (Rr - rhi.astype(F32)).astype(jnp.bfloat16)
    g = (lax.dot_general(thi, rhi, nt, preferred_element_type=F32)
         + lax.dot_general(thi, rlo, nt, preferred_element_type=F32)
         + lax.dot_general(tlo, rhi, nt, preferred_element_type=F32))
    e = tn + rn[None, :] - 2.0 * g
    d = jnp.sqrt(jnp.clip(e, 1e-30, None))
    bx = lax.broadcasted_iota(jnp.int32, d.shape, 0) // PP
    by = lax.broadcasted_iota(jnp.int32, d.shape, 1) // PP
    dm = jnp.where(bx == by, d, 1e30)
    z = -dm / TEMP
    mz = jnp.max(z, axis=1, keepdims=True)
    ez = jnp.exp(z - mz)
    s = ez / jnp.sum(ez, axis=1, keepdims=True)
    o_ref[...] = lax.dot_general(s.astype(jnp.bfloat16), A.astype(jnp.bfloat16),
                                 (((1,), (0,)), ((), ())),
                                 preferred_element_type=F32)


def _make_gather():
    info = plsc.get_sparse_core_info()
    nc = info.num_cores
    bpw = GPAD // (nc * info.num_subcores)
    ch = 16
    nch = bpw // ch
    mesh = plsc.VectorSubcoreMesh(core_axis_name="c", subcore_axis_name="s")

    @functools.partial(
        pl.kernel, mesh=mesh,
        out_type=[jax.ShapeDtypeStruct((GPAD, PP * C), F32)] * 2,
        scratch_types=[
            pltpu.VMEM((bpw,), jnp.int32),
            pltpu.VMEM((ch, PP * C), F32),
            pltpu.VMEM((ch, PP * C), F32),
            pltpu.SemaphoreType.DMA,
            pltpu.SemaphoreType.DMA,
            pltpu.SemaphoreType.DMA,
            pltpu.SemaphoreType.DMA,
        ],
    )
    def gather_k(rf_hbm, af_hbm, idx_hbm, outr_hbm, outa_hbm,
                 idx_v, rows_a, rows_b, gs_a, gs_b, ws_a, ws_b):
        wid = lax.axis_index("s") * nc + lax.axis_index("c")
        base = wid * bpw
        pltpu.sync_copy(idx_hbm.at[pl.ds(base, bpw)], idx_v)
        rows = (rows_a, rows_b)
        gsem = (gs_a, gs_b)
        wsem = (ws_a, ws_b)
        steps = [(tbl, out, k) for tbl, out in
                 ((rf_hbm, outr_hbm), (af_hbm, outa_hbm)) for k in range(nch)]
        pending = [None, None]
        for i, (tbl, out, k) in enumerate(steps):
            b = i % 2
            if pending[b] is not None:
                pending[b].wait()
            pltpu.async_copy(tbl.at[idx_v.at[pl.ds(k * ch, ch)]],
                             rows[b], gsem[b]).wait()
            pending[b] = pltpu.async_copy(rows[b], out.at[pl.ds(base + k * ch, ch)],
                                          wsem[b])
        for p in pending:
            p.wait()

    return gather_k


_gather = _make_gather()


def kernel(target, ref, ref_align):
    tgt4 = target.reshape(C, 56, 4, 224)
    ref4 = ref.reshape(C, 56, 4, 224)
    ra4 = ref_align.reshape(C, 56, 4, 224)

    img_spec = pl.BlockSpec((C, 1, 4, 224), lambda i: (0, i, 0, 0))
    tbl_spec = pl.BlockSpec((56, 4, 4, C), lambda i: (i, 0, 0, 0))
    Tf4, Rf4, Af4, x1, x2 = pl.pallas_call(
        _unfold_pool_body,
        grid=(56,),
        in_specs=[img_spec, img_spec, img_spec],
        out_specs=[tbl_spec] * 3 +
                  [pl.BlockSpec((56, C), lambda i: (i, 0))] * 2,
        out_shape=[jax.ShapeDtypeStruct((N, 4, 4, C), F32)] * 3 +
                  [jax.ShapeDtypeStruct((N, C), F32)] * 2,
    )(tgt4, ref4, ra4)
    Tf = Tf4.reshape(N, PP, C)
    Rf = Rf4.reshape(N, PP, C)
    Af = Af4.reshape(N, PP, C)

    idx3 = pl.pallas_call(
        _dist_body,
        grid=(GPAD // 64,),
        in_specs=[pl.BlockSpec((N, C), lambda i: (0, 0)),
                  pl.BlockSpec((64, C), lambda i: (i, 0))],
        out_specs=pl.BlockSpec((1, 1, 64), lambda i: (i, 0, 0)),
        out_shape=jax.ShapeDtypeStruct((GPAD // 64, 1, 64), jnp.int32),
    )(x1, x2)
    idxp = idx3.reshape(GPAD)

    Rg, Ag = _gather(Rf.reshape(N, PP * C), Af.reshape(N, PP * C), idxp)

    O2 = pl.pallas_call(
        _combine_body,
        grid=(N // G8,),
        in_specs=[pl.BlockSpec((G8 * PP, C), lambda i: (i, 0))] * 3,
        out_specs=pl.BlockSpec((G8 * PP, C), lambda i: (i, 0)),
        out_shape=jax.ShapeDtypeStruct((NROW2, C), F32),
    )(Tf.reshape(NROW2, C),
      Rg.reshape(GPAD * PP, C),
      Ag.reshape(GPAD * PP, C))

    out = O2.reshape(56, 56, 4, 4, C).transpose(4, 0, 2, 1, 3).reshape(1, C, 224, 224)
    return out

# --- scband reference (transcript-rebuilt; emitter-appended) ---
"""Pipeline reference for scband-non-local-block-71485435674645 (READ-ONLY COPY).

The authoritative reference and input builder live on the scoring server;
editing this copy changes nothing except your own understanding.
"""

import jax, jax.numpy as jnp
import numpy as np

P = 4
K = 1
TEMP = 0.001


def setup_inputs(seed: int = 0) -> dict:
    key = jax.random.key(seed)
    k1, k2, k3 = jax.random.split(key, 3)
    target = jax.random.normal(k1, (1, 96, 224, 224), dtype=jnp.float32)
    ref = jax.random.normal(k2, (1, 96, 224, 224), dtype=jnp.float32)
    ref_align = jax.random.normal(k3, (1, 96, 224, 224), dtype=jnp.float32)
    return {"target": target, "ref": ref, "ref_align": ref_align}


def _blocks(x, b, c, ph, pw, p):
    # equivalent of torch unfold(1,C,C).unfold(2,p,p).unfold(3,p,p).reshape(b,-1,C,p*p)
    return x.reshape(b, c, ph, p, pw, p).transpose(0, 2, 4, 1, 3, 5).reshape(b, ph * pw, c, p * p)


def reference(target, ref, ref_align):
    p, k, temp = P, K, TEMP
    b, c, H, W = target.shape
    ph, pw = H // p, W // p
    N = ph * pw
    pp = p * p
    # AvgPool2d(kernel=p, stride=p) then flatten spatial
    pool_t = target.reshape(b, c, ph, p, pw, p).mean(axis=(3, 5)).reshape(b, c, N)
    pool_r = ref.reshape(b, c, ph, p, pw, p).mean(axis=(3, 5)).reshape(b, c, N)
    x1 = pool_t.transpose(0, 2, 1)  # [b,N,c] target blocks
    x2 = pool_r.transpose(0, 2, 1)  # [b,N,c] ref blocks
    x1n = jnp.sum(x1 ** 2, axis=-1, keepdims=True)
    x2n = jnp.sum(x2 ** 2, axis=-1, keepdims=True)
    D = x1n + jnp.swapaxes(x2n, -2, -1) - 2.0 * jnp.einsum('bnc,bmc->bnm', x1, x2)
    D = jnp.sqrt(jnp.clip(D, 1e-30, None))  # [b,N,N]
    # torch.topk(D, k, dim=1, largest=False) then transpose(1,2) -> indices [b,N,k]
    _, topk_idx = jax.lax.top_k(-jnp.swapaxes(D, 1, 2), k)  # [b,N,k]
    Fra = _blocks(ref_align, b, c, ph, pw, p)  # [b,N,c,pp]
    Fr = _blocks(ref, b, c, ph, pw, p)
    Ft = _blocks(target, b, c, ph, pw, p)
    bidx = jnp.arange(b)[:, None, None]
    tb_align = Fra[bidx, topk_idx]  # [b,N,k,c,pp]
    tb = Fr[bidx, topk_idx]         # [b,N,k,c,pp]
    tb_align = jnp.swapaxes(tb_align, 2, 3).reshape(b, N, c, k * pp)
    tb = jnp.swapaxes(tb, 2, 3).reshape(b, N, c, k * pp)
    # pixel-to-pixel L2 distance between target block pixels and topk ref block pixels
    d = jnp.sqrt(jnp.clip(jnp.sum((tb[:, :, :, None, :] - Ft[:, :, :, :, None]) ** 2, axis=2), 1e-30, None))  # [b,N,pp,k*pp]
    s = jax.nn.softmax(-d / temp, axis=-1)
    out = jnp.einsum('bnck,bnpk->bncp', tb_align, s)  # [b,N,c,pp]
    out = out.reshape(b, N, c * pp).transpose(0, 2, 1).reshape(b, c * pp, ph, pw)
    # PixelShuffle(p)
    out = out.reshape(b, c, p, p, ph, pw).transpose(0, 1, 4, 2, 5, 3).reshape(b, c, H, W)
    return out

if __name__ == "__main__":
    import jax
    _d = setup_inputs()
    print(jax.jit(kernel)(*tuple(_d.values())))

</pallas_src>

<mosaic_0001>
#map = affine_map<(d0, d1) -> (0, 0)>
#map1 = affine_map<(d0, d1) -> (0)>
module attributes {stable_mosaic.version = 14 : i64} {
  func.func @gather_k(%arg0: i32, %arg1: i32, %arg2: memref<3136x1536xf32, #tpu.memory_space<hbm>>, %arg3: memref<3136x1536xf32, #tpu.memory_space<hbm>>, %arg4: memref<3584xi32, #tpu.memory_space<hbm>>, %arg5: memref<3584x1536xf32, #tpu.memory_space<hbm>>, %arg6: memref<3584x1536xf32, #tpu.memory_space<hbm>>, %arg7: memref<112xi32, #tpu.memory_space<vmem>>, %arg8: memref<16x1536xf32, #tpu.memory_space<vmem>>, %arg9: memref<16x1536xf32, #tpu.memory_space<vmem>>, %arg10: memref<!tpu.dma_semaphore, #tpu.memory_space<semaphore_mem>>, %arg11: memref<!tpu.dma_semaphore, #tpu.memory_space<semaphore_mem>>, %arg12: memref<!tpu.dma_semaphore, #tpu.memory_space<semaphore_mem>>, %arg13: memref<!tpu.dma_semaphore, #tpu.memory_space<semaphore_mem>>) attributes {dimension_semantics = [#tpu.dimension_semantics<core_parallel>, #tpu.dimension_semantics<subcore_parallel>], iteration_bounds = array<i64: 2, 16>, scalar_prefetch = 0 : i64, scratch_operands = 7 : i64, tpu.core_type = #tpu.core_type<sc_vector_subcore>, window_params = [{transform_indices = #map}, {transform_indices = #map}, {transform_indices = #map1}, {transform_indices = #map}, {transform_indices = #map}]} {
    %mul3A = arith.constant 2 : i32
    %mul3A_0 = arith.muli %arg1, %mul3A : i32
    %add3A = arith.addi %mul3A_0, %arg0 : i32
    %mul3A_1 = arith.constant 112 : i32
    %mul3A_2 = arith.muli %add3A, %mul3A_1 : i32
    "tpu.region"() ({
      %run_scoped3A = tpu.sem_alloc : memref<!tpu.dma_semaphore, #tpu.memory_space<semaphore_mem>>
      %dma_start3A_281 = tpu.memref_slice %arg4[%mul3A_2] : memref<3584xi32, #tpu.memory_space<hbm>> -> memref<112xi32, #tpu.memory_space<hbm>>
      %dma_start3A_282 = tpu.memref_slice %arg4[%mul3A_2] : memref<3584xi32, #tpu.memory_space<hbm>> -> memref<112xi32, #tpu.memory_space<hbm>>
      tpu.enqueue_dma source(%dma_start3A_282 : memref<112xi32, #tpu.memory_space<hbm>>) target(%arg7 : memref<112xi32, #tpu.memory_space<vmem>>) target_semaphore(%run_scoped3A : memref<!tpu.dma_semaphore, #tpu.memory_space<semaphore_mem>>)
      %dma_wait3A_283 = tpu.memref_slice %arg4[%mul3A_2] : memref<3584xi32, #tpu.memory_space<hbm>> -> memref<112xi32, #tpu.memory_space<hbm>>
      %dma_wait3A_284 = tpu.memref_slice %arg4[%mul3A_2] : memref<3584xi32, #tpu.memory_space<hbm>> -> memref<112xi32, #tpu.memory_space<hbm>>
      tpu.wait_dma2 semaphore(%run_scoped3A : memref<!tpu.dma_semaphore, #tpu.memory_space<semaphore_mem>>) src(%dma_wait3A_284 : memref<112xi32, #tpu.memory_space<hbm>>) dst(%arg7 : memref<112xi32, #tpu.memory_space<vmem>>)
      tpu.yield
    }) : () -> ()
    %dma_start3A = arith.constant 0 : i32
    %dma_start3A_3 = tpu.memref_slice %arg7[%dma_start3A] : memref<112xi32, #tpu.memory_space<vmem>> -> memref<16xi32, #tpu.memory_space<vmem>>
    %dma_start3A_4 = arith.constant 0 : i32
    %dma_start3A_5 = arith.constant 0 : i32
    %dma_start3A_6 = tpu.memref_slice %arg2[%dma_start3A_4, %dma_start3A_5] : memref<3136x1536xf32, #tpu.memory_space<hbm>> -> memref<3136x1536xf32, #tpu.memory_space<hbm>>
    tpu.enqueue_indirect_dma source(%dma_start3A_6 : memref<3136x1536xf32, #tpu.memory_space<hbm>>) target(%arg8 : memref<16x1536xf32, #tpu.memory_space<vmem>>) offsets(%dma_start3A_3 : memref<16xi32, #tpu.memory_space<vmem>>) semaphore(%arg10 : memref<!tpu.dma_semaphore, #tpu.memory_space<semaphore_mem>>)
    %dma_wait3A = arith.constant 0 : i32
    %dma_wait3A_7 = tpu.memref_slice %arg7[%dma_wait3A] : memref<112xi32, #tpu.memory_space<vmem>> -> memref<16xi32, #tpu.memory_space<vmem>>
    %dma_wait3A_8 = arith.constant 0 : i32
    %dma_wait3A_9 = arith.constant 0 : i32
    %dma_wait3A_10 = tpu.memref_slice %arg2[%dma_wait3A_8, %dma_wait3A_9] : memref<3136x1536xf32, #tpu.memory_space<hbm>> -> memref<3136x1536xf32, #tpu.memory_space<hbm>>
    tpu.wait_indirect_dma semaphore(%arg10 : memref<!tpu.dma_semaphore, #tpu.memory_space<semaphore_mem>>) src(%dma_wait3A_10 : memref<3136x1536xf32, #tpu.memory_space<hbm>>) dst(%arg8 : memref<16x1536xf32, #tpu.memory_space<vmem>>)
    %add3A_11 = arith.constant 0 : i32
    %add3A_12 = arith.addi %mul3A_2, %add3A_11 : i32
    %dma_start3A_13 = arith.constant 0 : i32
    %dma_start3A_14 = tpu.memref_slice %arg5[%add3A_12, %dma_start3A_13] : memref<3584x1536xf32, #tpu.memory_space<hbm>> -> memref<16x1536xf32, #tpu.memory_space<hbm>>
    %dma_start3A_15 = arith.constant 0 : i32
    %dma_start3A_16 = tpu.memref_slice %arg5[%add3A_12, %dma_start3A_15] : memref<3584x1536xf32, #tpu.memory_space<hbm>> -> memref<16x1536xf32, #tpu.memory_space<hbm>>
    tpu.enqueue_dma source(%arg8 : memref<16x1536xf32, #tpu.memory_space<vmem>>) target(%dma_start3A_16 : memref<16x1536xf32, #tpu.memory_space<hbm>>) target_semaphore(%arg12 : memref<!tpu.dma_semaphore, #tpu.memory_space<semaphore_mem>>)
    %dma_start3A_17 = arith.constant 16 : i32
    %dma_start3A_18 = tpu.memref_slice %arg7[%dma_start3A_17] : memref<112xi32, #tpu.memory_space<vmem>> -> memref<16xi32, #tpu.memory_space<vmem>>
    %dma_start3A_19 = arith.constant 0 : i32
    %dma_start3A_20 = arith.constant 0 : i32
    %dma_start3A_21 = tpu.memref_slice %arg2[%dma_start3A_19, %dma_start3A_20] : memref<3136x1536xf32, #tpu.memory_space<hbm>> -> memref<3136x1536xf32, #tpu.memory_space<hbm>>
    tpu.enqueue_indirect_dma source(%dma_start3A_21 : memref<3136x1536xf32, #tpu.memory_space<hbm>>) target(%arg9 : memref<16x1536xf32, #tpu.memory_space<vmem>>) offsets(%dma_start3A_18 : memref<16xi32, #tpu.memory_space<vmem>>) semaphore(%arg11 : memref<!tpu.dma_semaphore, #tpu.memory_space<semaphore_mem>>)
    %dma_wait3A_22 = arith.constant 16 : i32
    %dma_wait3A_23 = tpu.memref_slice %arg7[%dma_wait3A_22] : memref<112xi32, #tpu.memory_space<vmem>> -> memref<16xi32, #tpu.memory_space<vmem>>
    %dma_wait3A_24 = arith.constant 0 : i32
    %dma_wait3A_25 = arith.constant 0 : i32
    %dma_wait3A_26 = tpu.memref_slice %arg2[%dma_wait3A_24, %dma_wait3A_25] : memref<3136x1536xf32, #tpu.memory_space<hbm>> -> memref<3136x1536xf32, #tpu.memory_space<hbm>>
    tpu.wait_indirect_dma semaphore(%arg11 : memref<!tpu.dma_semaphore, #tpu.memory_space<semaphore_mem>>) src(%dma_wait3A_26 : memref<3136x1536xf32, #tpu.memory_space<hbm>>) dst(%arg9 : memref<16x1536xf32, #tpu.memory_space<vmem>>)
    %add3A_27 = arith.constant 16 : i32
    %add3A_28 = arith.addi %mul3A_2, %add3A_27 : i32
    %dma_start3A_29 = arith.constant 0 : i32
    %dma_start3A_30 = tpu.memref_slice %arg5[%add3A_28, %dma_start3A_29] : memref<3584x1536xf32, #tpu.memory_space<hbm>> -> memref<16x1536xf32, #tpu.memory_space<hbm>>
    %dma_start3A_31 = arith.constant 0 : i32
    %dma_start3A_32 = tpu.memref_slice %arg5[%add3A_28, %dma_start3A_31] : memref<3584x1536xf32, #tpu.memory_space<hbm>> -> memref<16x1536xf32, #tpu.memory_space<hbm>>
    tpu.enqueue_dma source(%arg9 : memref<16x1536xf32, #tpu.memory_space<vmem>>) target(%dma_start3A_32 : memref<16x1536xf32, #tpu.memory_space<hbm>>) target_semaphore(%arg13 : memref<!tpu.dma_semaphore, #tpu.memory_space<semaphore_mem>>)
    %dma_wait3A_33 = arith.constant 0 : i32
    %dma_wait3A_34 = tpu.memref_slice %arg5[%add3A_12, %dma_wait3A_33] : memref<3584x1536xf32, #tpu.memory_space<hbm>> -> memref<16x1536xf32, #tpu.memory_space<hbm>>
    %dma_wait3A_35 = arith.constant 0 : i32
    %dma_wait3A_36 = tpu.memref_slice %arg5[%add3A_12, %dma_wait3A_35] : memref<3584x1536xf32, #tpu.memory_space<hbm>> -> memref<16x1536xf32, #tpu.memory_space<hbm>>
    tpu.wait_dma2 semaphore(%arg12 : memref<!tpu.dma_semaphore, #tpu.memory_space<semaphore_mem>>) src(%arg8 : memref<16x1536xf32, #tpu.memory_space<vmem>>) dst(%dma_wait3A_36 : memref<16x1536xf32, #tpu.memory_space<hbm>>)
    %dma_start3A_37 = arith.constant 32 : i32
    %dma_start3A_38 = tpu.memref_slice %arg7[%dma_start3A_37] : memref<112xi32, #tpu.memory_space<vmem>> -> memref<16xi32, #tpu.memory_space<vmem>>
    %dma_start3A_39 = arith.constant 0 : i32
    %dma_start3A_40 = arith.constant 0 : i32
    %dma_start3A_41 = tpu.memref_slice %arg2[%dma_start3A_39, %dma_start3A_40] : memref<3136x1536xf32, #tpu.memory_space<hbm>> -> memref<3136x1536xf32, #tpu.memory_space<hbm>>
    tpu.enqueue_indirect_dma source(%dma_start3A_41 : memref<3136x1536xf32, #tpu.memory_space<hbm>>) target(%arg8 : memref<16x1536xf32, #tpu.memory_space<vmem>>) offsets(%dma_start3A_38 : memref<16xi32, #tpu.memory_space<vmem>>) semaphore(%arg10 : memref<!tpu.dma_semaphore, #tpu.memory_space<semaphore_mem>>)
    %dma_wait3A_42 = arith.constant 32 : i32
    %dma_wait3A_43 = tpu.memref_slice %arg7[%dma_wait3A_42] : memref<112xi32, #tpu.memory_space<vmem>> -> memref<16xi32, #tpu.memory_space<vmem>>
    %dma_wait3A_44 = arith.constant 0 : i32
    %dma_wait3A_45 = arith.constant 0 : i32
    %dma_wait3A_46 = tpu.memref_slice %arg2[%dma_wait3A_44, %dma_wait3A_45] : memref<3136x1536xf32, #tpu.memory_space<hbm>> -> memref<3136x1536xf32, #tpu.memory_space<hbm>>
    tpu.wait_indirect_dma semaphore(%arg10 : memref<!tpu.dma_semaphore, #tpu.memory_space<semaphore_mem>>) src(%dma_wait3A_46 : memref<3136x1536xf32, #tpu.memory_space<hbm>>) dst(%arg8 : memref<16x1536xf32, #tpu.memory_space<vmem>>)
    %add3A_47 = arith.constant 32 : i32
    %add3A_48 = arith.addi %mul3A_2, %add3A_47 : i32
    %dma_start3A_49 = arith.constant 0 : i32
    %dma_start3A_50 = tpu.memref_slice %arg5[%add3A_48, %dma_start3A_49] : memref<3584x1536xf32, #tpu.memory_space<hbm>> -> memref<16x1536xf32, #tpu.memory_space<hbm>>
    %dma_start3A_51 = arith.constant 0 : i32
    %dma_start3A_52 = tpu.memref_slice %arg5[%add3A_48, %dma_start3A_51] : memref<3584x1536xf32, #tpu.memory_space<hbm>> -> memref<16x1536xf32, #tpu.memory_space<hbm>>
    tpu.enqueue_dma source(%arg8 : memref<16x1536xf32, #tpu.memory_space<vmem>>) target(%dma_start3A_52 : memref<16x1536xf32, #tpu.memory_space<hbm>>) target_semaphore(%arg12 : memref<!tpu.dma_semaphore, #tpu.memory_space<semaphore_mem>>)
    %dma_wait3A_53 = arith.constant 0 : i32
    %dma_wait3A_54 = tpu.memref_slice %arg5[%add3A_28, %dma_wait3A_53] : memref<3584x1536xf32, #tpu.memory_space<hbm>> -> memref<16x1536xf32, #tpu.memory_space<hbm>>
    %dma_wait3A_55 = arith.constant 0 : i32
    %dma_wait3A_56 = tpu.memref_slice %arg5[%add3A_28, %dma_wait3A_55] : memref<3584x1536xf32, #tpu.memory_space<hbm>> -> memref<16x1536xf32, #tpu.memory_space<hbm>>
    tpu.wait_dma2 semaphore(%arg13 : memref<!tpu.dma_semaphore, #tpu.memory_space<semaphore_mem>>) src(%arg9 : memref<16x1536xf32, #tpu.memory_space<vmem>>) dst(%dma_wait3A_56 : memref<16x1536xf32, #tpu.memory_space<hbm>>)
    %dma_start3A_57 = arith.constant 48 : i32
    %dma_start3A_58 = tpu.memref_slice %arg7[%dma_start3A_57] : memref<112xi32, #tpu.memory_space<vmem>> -> memref<16xi32, #tpu.memory_space<vmem>>
    %dma_start3A_59 = arith.constant 0 : i32
    %dma_start3A_60 = arith.constant 0 : i32
    %dma_start3A_61 = tpu.memref_slice %arg2[%dma_start3A_59, %dma_start3A_60] : memref<3136x1536xf32, #tpu.memory_space<hbm>> -> memref<3136x1536xf32, #tpu.memory_space<hbm>>
    tpu.enqueue_indirect_dma source(%dma_start3A_61 : memref<3136x1536xf32, #tpu.memory_space<hbm>>) target(%arg9 : memref<16x1536xf32, #tpu.memory_space<vmem>>) offsets(%dma_start3A_58 : memref<16xi32, #tpu.memory_space<vmem>>) semaphore(%arg11 : memref<!tpu.dma_semaphore, #tpu.memory_space<semaphore_mem>>)
    %dma_wait3A_62 = arith.constant 48 : i32
    %dma_wait3A_63 = tpu.memref_slice %arg7[%dma_wait3A_62] : memref<112xi32, #tpu.memory_space<vmem>> -> memref<16xi32, #tpu.memory_space<vmem>>
    %dma_wait3A_64 = arith.constant 0 : i32
    %dma_wait3A_65 = arith.constant 0 : i32
    %dma_wait3A_66 = tpu.memref_slice %arg2[%dma_wait3A_64, %dma_wait3A_65] : memref<3136x1536xf32, #tpu.memory_space<hbm>> -> memref<3136x1536xf32, #tpu.memory_space<hbm>>
    tpu.wait_indirect_dma semaphore(%arg11 : memref<!tpu.dma_semaphore, #tpu.memory_space<semaphore_mem>>) src(%dma_wait3A_66 : memref<3136x1536xf32, #tpu.memory_space<hbm>>) dst(%arg9 : memref<16x1536xf32, #tpu.memory_space<vmem>>)
    %add3A_67 = arith.constant 48 : i32
    %add3A_68 = arith.addi %mul3A_2, %add3A_67 : i32
    %dma_start3A_69 = arith.constant 0 : i32
    %dma_start3A_70 = tpu.memref_slice %arg5[%add3A_68, %dma_start3A_69] : memref<3584x1536xf32, #tpu.memory_space<hbm>> -> memref<16x1536xf32, #tpu.memory_space<hbm>>
    %dma_start3A_71 = arith.constant 0 : i32
    %dma_start3A_72 = tpu.memref_slice %arg5[%add3A_68, %dma_start3A_71] : memref<3584x1536xf32, #tpu.memory_space<hbm>> -> memref<16x1536xf32, #tpu.memory_space<hbm>>
    tpu.enqueue_dma source(%arg9 : memref<16x1536xf32, #tpu.memory_space<vmem>>) target(%dma_start3A_72 : memref<16x1536xf32, #tpu.memory_space<hbm>>) target_semaphore(%arg13 : memref<!tpu.dma_semaphore, #tpu.memory_space<semaphore_mem>>)
    %dma_wait3A_73 = arith.constant 0 : i32
    %dma_wait3A_74 = tpu.memref_slice %arg5[%add3A_48, %dma_wait3A_73] : memref<3584x1536xf32, #tpu.memory_space<hbm>> -> memref<16x1536xf32, #tpu.memory_space<hbm>>
    %dma_wait3A_75 = arith.constant 0 : i32
    %dma_wait3A_76 = tpu.memref_slice %arg5[%add3A_48, %dma_wait3A_75] : memref<3584x1536xf32, #tpu.memory_space<hbm>> -> memref<16x1536xf32, #tpu.memory_space<hbm>>
    tpu.wait_dma2 semaphore(%arg12 : memref<!tpu.dma_semaphore, #tpu.memory_space<semaphore_mem>>) src(%arg8 : memref<16x1536xf32, #tpu.memory_space<vmem>>) dst(%dma_wait3A_76 : memref<16x1536xf32, #tpu.memory_space<hbm>>)
    %dma_start3A_77 = arith.constant 64 : i32
    %dma_start3A_78 = tpu.memref_slice %arg7[%dma_start3A_77] : memref<112xi32, #tpu.memory_space<vmem>> -> memref<16xi32, #tpu.memory_space<vmem>>
    %dma_start3A_79 = arith.constant 0 : i32
    %dma_start3A_80 = arith.constant 0 : i32
    %dma_start3A_81 = tpu.memref_slice %arg2[%dma_start3A_79, %dma_start3A_80] : memref<3136x1536xf32, #tpu.memory_space<hbm>> -> memref<3136x1536xf32, #tpu.memory_space<hbm>>
    tpu.enqueue_indirect_dma source(%dma_start3A_81 : memref<3136x1536xf32, #tpu.memory_space<hbm>>) target(%arg8 : memref<16x1536xf32, #tpu.memory_space<vmem>>) offsets(%dma_start3A_78 : memref<16xi32, #tpu.memory_space<vmem>>) semaphore(%arg10 : memref<!tpu.dma_semaphore, #tpu.memory_space<semaphore_mem>>)
    %dma_wait3A_82 = arith.constant 64 : i32
    %dma_wait3A_83 = tpu.memref_slice %arg7[%dma_wait3A_82] : memref<112xi32, #tpu.memory_space<vmem>> -> memref<16xi32, #tpu.memory_space<vmem>>
    %dma_wait3A_84 = arith.constant 0 : i32
    %dma_wait3A_85 = arith.constant 0 : i32
    %dma_wait3A_86 = tpu.memref_slice %arg2[%dma_wait3A_84, %dma_wait3A_85] : memref<3136x1536xf32, #tpu.memory_space<hbm>> -> memref<3136x1536xf32, #tpu.memory_space<hbm>>
    tpu.wait_indirect_dma semaphore(%arg10 : memref<!tpu.dma_semaphore, #tpu.memory_space<semaphore_mem>>) src(%dma_wait3A_86 : memref<3136x1536xf32, #tpu.memory_space<hbm>>) dst(%arg8 : memref<16x1536xf32, #tpu.memory_space<vmem>>)
    %add3A_87 = arith.constant 64 : i32
    %add3A_88 = arith.addi %mul3A_2, %add3A_87 : i32
    %dma_start3A_89 = arith.constant 0 : i32
    %dma_start3A_90 = tpu.memref_slice %arg5[%add3A_88, %dma_start3A_89] : memref<3584x1536xf32, #tpu.memory_space<hbm>> -> memref<16x1536xf32, #tpu.memory_space<hbm>>
    %dma_start3A_91 = arith.constant 0 : i32
    %dma_start3A_92 = tpu.memref_slice %arg5[%add3A_88, %dma_start3A_91] : memref<3584x1536xf32, #tpu.memory_space<hbm>> -> memref<16x1536xf32, #tpu.memory_space<hbm>>
    tpu.enqueue_dma source(%arg8 : memref<16x1536xf32, #tpu.memory_space<vmem>>) target(%dma_start3A_92 : memref<16x1536xf32, #tpu.memory_space<hbm>>) target_semaphore(%arg12 : memref<!tpu.dma_semaphore, #tpu.memory_space<semaphore_mem>>)
    %dma_wait3A_93 = arith.constant 0 : i32
    %dma_wait3A_94 = tpu.memref_slice %arg5[%add3A_68, %dma_wait3A_93] : memref<3584x1536xf32, #tpu.memory_space<hbm>> -> memref<16x1536xf32, #tpu.memory_space<hbm>>
    %dma_wait3A_95 = arith.constant 0 : i32
    %dma_wait3A_96 = tpu.memref_slice %arg5[%add3A_68, %dma_wait3A_95] : memref<3584x1536xf32, #tpu.memory_space<hbm>> -> memref<16x1536xf32, #tpu.memory_space<hbm>>
    tpu.wait_dma2 semaphore(%arg13 : memref<!tpu.dma_semaphore, #tpu.memory_space<semaphore_mem>>) src(%arg9 : memref<16x1536xf32, #tpu.memory_space<vmem>>) dst(%dma_wait3A_96 : memref<16x1536xf32, #tpu.memory_space<hbm>>)
    %dma_start3A_97 = arith.constant 80 : i32
    %dma_start3A_98 = tpu.memref_slice %arg7[%dma_start3A_97] : memref<112xi32, #tpu.memory_space<vmem>> -> memref<16xi32, #tpu.memory_space<vmem>>
    %dma_start3A_99 = arith.constant 0 : i32
    %dma_start3A_100 = arith.constant 0 : i32
    %dma_start3A_101 = tpu.memref_slice %arg2[%dma_start3A_99, %dma_start3A_100] : memref<3136x1536xf32, #tpu.memory_space<hbm>> -> memref<3136x1536xf32, #tpu.memory_space<hbm>>
    tpu.enqueue_indirect_dma source(%dma_start3A_101 : memref<3136x1536xf32, #tpu.memory_space<hbm>>) target(%arg9 : memref<16x1536xf32, #tpu.memory_space<vmem>>) offsets(%dma_start3A_98 : memref<16xi32, #tpu.memory_space<vmem>>) semaphore(%arg11 : memref<!tpu.dma_semaphore, #tpu.memory_space<semaphore_mem>>)
    %dma_wait3A_102 = arith.constant 80 : i32
    %dma_wait3A_103 = tpu.memref_slice %arg7[%dma_wait3A_102] : memref<112xi32, #tpu.memory_space<vmem>> -> memref<16xi32, #tpu.memory_space<vmem>>
    %dma_wait3A_104 = arith.constant 0 : i32
    %dma_wait3A_105 = arith.constant 0 : i32
    %dma_wait3A_106 = tpu.memref_slice %arg2[%dma_wait3A_104, %dma_wait3A_105] : memref<3136x1536xf32, #tpu.memory_space<hbm>> -> memref<3136x1536xf32, #tpu.memory_space<hbm>>
    tpu.wait_indirect_dma semaphore(%arg11 : memref<!tpu.dma_semaphore, #tpu.memory_space<semaphore_mem>>) src(%dma_wait3A_106 : memref<3136x1536xf32, #tpu.memory_space<hbm>>) dst(%arg9 : memref<16x1536xf32, #tpu.memory_space<vmem>>)
    %add3A_107 = arith.constant 80 : i32
    %add3A_108 = arith.addi %mul3A_2, %add3A_107 : i32
    %dma_start3A_109 = arith.constant 0 : i32
    %dma_start3A_110 = tpu.memref_slice %arg5[%add3A_108, %dma_start3A_109] : memref<3584x1536xf32, #tpu.memory_space<hbm>> -> memref<16x1536xf32, #tpu.memory_space<hbm>>
    %dma_start3A_111 = arith.constant 0 : i32
    %dma_start3A_112 = tpu.memref_slice %arg5[%add3A_108, %dma_start3A_111] : memref<3584x1536xf32, #tpu.memory_space<hbm>> -> memref<16x1536xf32, #tpu.memory_space<hbm>>
    tpu.enqueue_dma source(%arg9 : memref<16x1536xf32, #tpu.memory_space<vmem>>) target(%dma_start3A_112 : memref<16x1536xf32, #tpu.memory_space<hbm>>) target_semaphore(%arg13 : memref<!tpu.dma_semaphore, #tpu.memory_space<semaphore_mem>>)
    %dma_wait3A_113 = arith.constant 0 : i32
    %dma_wait3A_114 = tpu.memref_slice %arg5[%add3A_88, %dma_wait3A_113] : memref<3584x1536xf32, #tpu.memory_space<hbm>> -> memref<16x1536xf32, #tpu.memory_space<hbm>>
    %dma_wait3A_115 = arith.constant 0 : i32
    %dma_wait3A_116 = tpu.memref_slice %arg5[%add3A_88, %dma_wait3A_115] : memref<3584x1536xf32, #tpu.memory_space<hbm>> -> memref<16x1536xf32, #tpu.memory_space<hbm>>
    tpu.wait_dma2 semaphore(%arg12 : memref<!tpu.dma_semaphore, #tpu.memory_space<semaphore_mem>>) src(%arg8 : memref<16x1536xf32, #tpu.memory_space<vmem>>) dst(%dma_wait3A_116 : memref<16x1536xf32, #tpu.memory_space<hbm>>)
    %dma_start3A_117 = arith.constant 96 : i32
    %dma_start3A_118 = tpu.memref_slice %arg7[%dma_start3A_117] : memref<112xi32, #tpu.memory_space<vmem>> -> memref<16xi32, #tpu.memory_space<vmem>>
    %dma_start3A_119 = arith.constant 0 : i32
    %dma_start3A_120 = arith.constant 0 : i32
    %dma_start3A_121 = tpu.memref_slice %arg2[%dma_start3A_119, %dma_start3A_120] : memref<3136x1536xf32, #tpu.memory_space<hbm>> -> memref<3136x1536xf32, #tpu.memory_space<hbm>>
    tpu.enqueue_indirect_dma source(%dma_start3A_121 : memref<3136x1536xf32, #tpu.memory_space<hbm>>) target(%arg8 : memref<16x1536xf32, #tpu.memory_space<vmem>>) offsets(%dma_start3A_118 : memref<16xi32, #tpu.memory_space<vmem>>) semaphore(%arg10 : memref<!tpu.dma_semaphore, #tpu.memory_space<semaphore_mem>>)
    %dma_wait3A_122 = arith.constant 96 : i32
    %dma_wait3A_123 = tpu.memref_slice %arg7[%dma_wait3A_122] : memref<112xi32, #tpu.memory_space<vmem>> -> memref<16xi32, #tpu.memory_space<vmem>>
    %dma_wait3A_124 = arith.constant 0 : i32
    %dma_wait3A_125 = arith.constant 0 : i32
    %dma_wait3A_126 = tpu.memref_slice %arg2[%dma_wait3A_124, %dma_wait3A_125] : memref<3136x1536xf32, #tpu.memory_space<hbm>> -> memref<3136x1536xf32, #tpu.memory_space<hbm>>
    tpu.wait_indirect_dma semaphore(%arg10 : memref<!tpu.dma_semaphore, #tpu.memory_space<semaphore_mem>>) src(%dma_wait3A_126 : memref<3136x1536xf32, #tpu.memory_space<hbm>>) dst(%arg8 : memref<16x1536xf32, #tpu.memory_space<vmem>>)
    %add3A_127 = arith.constant 96 : i32
    %add3A_128 = arith.addi %mul3A_2, %add3A_127 : i32
    %dma_start3A_129 = arith.constant 0 : i32
    %dma_start3A_130 = tpu.memref_slice %arg5[%add3A_128, %dma_start3A_129] : memref<3584x1536xf32, #tpu.memory_space<hbm>> -> memref<16x1536xf32, #tpu.memory_space<hbm>>
    %dma_start3A_131 = arith.constant 0 : i32
    %dma_start3A_132 = tpu.memref_slice %arg5[%add3A_128, %dma_start3A_131] : memref<3584x1536xf32, #tpu.memory_space<hbm>> -> memref<16x1536xf32, #tpu.memory_space<hbm>>
    tpu.enqueue_dma source(%arg8 : memref<16x1536xf32, #tpu.memory_space<vmem>>) target(%dma_start3A_132 : memref<16x1536xf32, #tpu.memory_space<hbm>>) target_semaphore(%arg12 : memref<!tpu.dma_semaphore, #tpu.memory_space<semaphore_mem>>)
    %dma_wait3A_133 = arith.constant 0 : i32
    %dma_wait3A_134 = tpu.memref_slice %arg5[%add3A_108, %dma_wait3A_133] : memref<3584x1536xf32, #tpu.memory_space<hbm>> -> memref<16x1536xf32, #tpu.memory_space<hbm>>
    %dma_wait3A_135 = arith.constant 0 : i32
    %dma_wait3A_136 = tpu.memref_slice %arg5[%add3A_108, %dma_wait3A_135] : memref<3584x1536xf32, #tpu.memory_space<hbm>> -> memref<16x1536xf32, #tpu.memory_space<hbm>>
    tpu.wait_dma2 semaphore(%arg13 : memref<!tpu.dma_semaphore, #tpu.memory_space<semaphore_mem>>) src(%arg9 : memref<16x1536xf32, #tpu.memory_space<vmem>>) dst(%dma_wait3A_136 : memref<16x1536xf32, #tpu.memory_space<hbm>>)
    %dma_start3A_137 = arith.constant 0 : i32
    %dma_start3A_138 = tpu.memref_slice %arg7[%dma_start3A_137] : memref<112xi32, #tpu.memory_space<vmem>> -> memref<16xi32, #tpu.memory_space<vmem>>
    %dma_start3A_139 = arith.constant 0 : i32
    %dma_start3A_140 = arith.constant 0 : i32
    %dma_start3A_141 = tpu.memref_slice %arg3[%dma_start3A_139, %dma_start3A_140] : memref<3136x1536xf32, #tpu.memory_space<hbm>> -> memref<3136x1536xf32, #tpu.memory_space<hbm>>
    tpu.enqueue_indirect_dma source(%dma_start3A_141 : memref<3136x1536xf32, #tpu.memory_space<hbm>>) target(%arg9 : memref<16x1536xf32, #tpu.memory_space<vmem>>) offsets(%dma_start3A_138 : memref<16xi32, #tpu.memory_space<vmem>>) semaphore(%arg11 : memref<!tpu.dma_semaphore, #tpu.memory_space<semaphore_mem>>)
    %dma_wait3A_142 = arith.constant 0 : i32
    %dma_wait3A_143 = tpu.memref_slice %arg7[%dma_wait3A_142] : memref<112xi32, #tpu.memory_space<vmem>> -> memref<16xi32, #tpu.memory_space<vmem>>
    %dma_wait3A_144 = arith.constant 0 : i32
    %dma_wait3A_145 = arith.constant 0 : i32
    %dma_wait3A_146 = tpu.memref_slice %arg3[%dma_wait3A_144, %dma_wait3A_145] : memref<3136x1536xf32, #tpu.memory_space<hbm>> -> memref<3136x1536xf32, #tpu.memory_space<hbm>>
    tpu.wait_indirect_dma semaphore(%arg11 : memref<!tpu.dma_semaphore, #tpu.memory_space<semaphore_mem>>) src(%dma_wait3A_146 : memref<3136x1536xf32, #tpu.memory_space<hbm>>) dst(%arg9 : memref<16x1536xf32, #tpu.memory_space<vmem>>)
    %add3A_147 = arith.constant 0 : i32
    %add3A_148 = arith.addi %mul3A_2, %add3A_147 : i32
    %dma_start3A_149 = arith.constant 0 : i32
    %dma_start3A_150 = tpu.memref_slice %arg6[%add3A_148, %dma_start3A_149] : memref<3584x1536xf32, #tpu.memory_space<hbm>> -> memref<16x1536xf32, #tpu.memory_space<hbm>>
    %dma_start3A_151 = arith.constant 0 : i32
    %dma_start3A_152 = tpu.memref_slice %arg6[%add3A_148, %dma_start3A_151] : memref<3584x1536xf32, #tpu.memory_space<hbm>> -> memref<16x1536xf32, #tpu.memory_space<hbm>>
    tpu.enqueue_dma source(%arg9 : memref<16x1536xf32, #tpu.memory_space<vmem>>) target(%dma_start3A_152 : memref<16x1536xf32, #tpu.memory_space<hbm>>) target_semaphore(%arg13 : memref<!tpu.dma_semaphore, #tpu.memory_space<semaphore_mem>>)
    %dma_wait3A_153 = arith.constant 0 : i32
    %dma_wait3A_154 = tpu.memref_slice %arg5[%add3A_128, %dma_wait3A_153] : memref<3584x1536xf32, #tpu.memory_space<hbm>> -> memref<16x1536xf32, #tpu.memory_space<hbm>>
    %dma_wait3A_155 = arith.constant 0 : i32
    %dma_wait3A_156 = tpu.memref_slice %arg5[%add3A_128, %dma_wait3A_155] : memref<3584x1536xf32, #tpu.memory_space<hbm>> -> memref<16x1536xf32, #tpu.memory_space<hbm>>
    tpu.wait_dma2 semaphore(%arg12 : memref<!tpu.dma_semaphore, #tpu.memory_space<semaphore_mem>>) src(%arg8 : memref<16x1536xf32, #tpu.memory_space<vmem>>) dst(%dma_wait3A_156 : memref<16x1536xf32, #tpu.memory_space<hbm>>)
    %dma_start3A_157 = arith.constant 16 : i32
    %dma_start3A_158 = tpu.memref_slice %arg7[%dma_start3A_157] : memref<112xi32, #tpu.memory_space<vmem>> -> memref<16xi32, #tpu.memory_space<vmem>>
    %dma_start3A_159 = arith.constant 0 : i32
    %dma_start3A_160 = arith.constant 0 : i32
    %dma_start3A_161 = tpu.memref_slice %arg3[%dma_start3A_159, %dma_start3A_160] : memref<3136x1536xf32, #tpu.memory_space<hbm>> -> memref<3136x1536xf32, #tpu.memory_space<hbm>>
    tpu.enqueue_indirect_dma source(%dma_start3A_161 : memref<3136x1536xf32, #tpu.memory_space<hbm>>) target(%arg8 : memref<16x1536xf32, #tpu.memory_space<vmem>>) offsets(%dma_start3A_158 : memref<16xi32, #tpu.memory_space<vmem>>) semaphore(%arg10 : memref<!tpu.dma_semaphore, #tpu.memory_space<semaphore_mem>>)
    %dma_wait3A_162 = arith.constant 16 : i32
    %dma_wait3A_163 = tpu.memref_slice %arg7[%dma_wait3A_162] : memref<112xi32, #tpu.memory_space<vmem>> -> memref<16xi32, #tpu.memory_space<vmem>>
    %dma_wait3A_164 = arith.constant 0 : i32
    %dma_wait3A_165 = arith.constant 0 : i32
    %dma_wait3A_166 = tpu.memref_slice %arg3[%dma_wait3A_164, %dma_wait3A_165] : memref<3136x1536xf32, #tpu.memory_space<hbm>> -> memref<3136x1536xf32, #tpu.memory_space<hbm>>
    tpu.wait_indirect_dma semaphore(%arg10 : memref<!tpu.dma_semaphore, #tpu.memory_space<semaphore_mem>>) src(%dma_wait3A_166 : memref<3136x1536xf32, #tpu.memory_space<hbm>>) dst(%arg8 : memref<16x1536xf32, #tpu.memory_space<vmem>>)
    %add3A_167 = arith.constant 16 : i32
    %add3A_168 = arith.addi %mul3A_2, %add3A_167 : i32
    %dma_start3A_169 = arith.constant 0 : i32
    %dma_start3A_170 = tpu.memref_slice %arg6[%add3A_168, %dma_start3A_169] : memref<3584x1536xf32, #tpu.memory_space<hbm>> -> memref<16x1536xf32, #tpu.memory_space<hbm>>
    %dma_start3A_171 = arith.constant 0 : i32
    %dma_start3A_172 = tpu.memref_slice %arg6[%add3A_168, %dma_start3A_171] : memref<3584x1536xf32, #tpu.memory_space<hbm>> -> memref<16x1536xf32, #tpu.memory_space<hbm>>
    tpu.enqueue_dma source(%arg8 : memref<16x1536xf32, #tpu.memory_space<vmem>>) target(%dma_start3A_172 : memref<16x1536xf32, #tpu.memory_space<hbm>>) target_semaphore(%arg12 : memref<!tpu.dma_semaphore, #tpu.memory_space<semaphore_mem>>)
    %dma_wait3A_173 = arith.constant 0 : i32
    %dma_wait3A_174 = tpu.memref_slice %arg6[%add3A_148, %dma_wait3A_173] : memref<3584x1536xf32, #tpu.memory_space<hbm>> -> memref<16x1536xf32, #tpu.memory_space<hbm>>
    %dma_wait3A_175 = arith.constant 0 : i32
    %dma_wait3A_176 = tpu.memref_slice %arg6[%add3A_148, %dma_wait3A_175] : memref<3584x1536xf32, #tpu.memory_space<hbm>> -> memref<16x1536xf32, #tpu.memory_space<hbm>>
    tpu.wait_dma2 semaphore(%arg13 : memref<!tpu.dma_semaphore, #tpu.memory_space<semaphore_mem>>) src(%arg9 : memref<16x1536xf32, #tpu.memory_space<vmem>>) dst(%dma_wait3A_176 : memref<16x1536xf32, #tpu.memory_space<hbm>>)
    %dma_start3A_177 = arith.constant 32 : i32
    %dma_start3A_178 = tpu.memref_slice %arg7[%dma_start3A_177] : memref<112xi32, #tpu.memory_space<vmem>> -> memref<16xi32, #tpu.memory_space<vmem>>
    %dma_start3A_179 = arith.constant 0 : i32
    %dma_start3A_180 = arith.constant 0 : i32
    %dma_start3A_181 = tpu.memref_slice %arg3[%dma_start3A_179, %dma_start3A_180] : memref<3136x1536xf32, #tpu.memory_space<hbm>> -> memref<3136x1536xf32, #tpu.memory_space<hbm>>
    tpu.enqueue_indirect_dma source(%dma_start3A_181 : memref<3136x1536xf32, #tpu.memory_space<hbm>>) target(%arg9 : memref<16x1536xf32, #tpu.memory_space<vmem>>) offsets(%dma_start3A_178 : memref<16xi32, #tpu.memory_space<vmem>>) semaphore(%arg11 : memref<!tpu.dma_semaphore, #tpu.memory_space<semaphore_mem>>)
    %dma_wait3A_182 = arith.constant 32 : i32
    %dma_wait3A_183 = tpu.memref_slice %arg7[%dma_wait3A_182] : memref<112xi32, #tpu.memory_space<vmem>> -> memref<16xi32, #tpu.memory_space<vmem>>
    %dma_wait3A_184 = arith.constant 0 : i32
    %dma_wait3A_185 = arith.constant 0 : i32
    %dma_wait3A_186 = tpu.memref_slice %arg3[%dma_wait3A_184, %dma_wait3A_185] : memref<3136x1536xf32, #tpu.memory_space<hbm>> -> memref<3136x1536xf32, #tpu.memory_space<hbm>>
    tpu.wait_indirect_dma semaphore(%arg11 : memref<!tpu.dma_semaphore, #tpu.memory_space<semaphore_mem>>) src(%dma_wait3A_186 : memref<3136x1536xf32, #tpu.memory_space<hbm>>) dst(%arg9 : memref<16x1536xf32, #tpu.memory_space<vmem>>)
    %add3A_187 = arith.constant 32 : i32
    %add3A_188 = arith.addi %mul3A_2, %add3A_187 : i32
    %dma_start3A_189 = arith.constant 0 : i32
    %dma_start3A_190 = tpu.memref_slice %arg6[%add3A_188, %dma_start3A_189] : memref<3584x1536xf32, #tpu.memory_space<hbm>> -> memref<16x1536xf32, #tpu.memory_space<hbm>>
    %dma_start3A_191 = arith.constant 0 : i32
    %dma_start3A_192 = tpu.memref_slice %arg6[%add3A_188, %dma_start3A_191] : memref<3584x1536xf32, #tpu.memory_space<hbm>> -> memref<16x1536xf32, #tpu.memory_space<hbm>>
    tpu.enqueue_dma source(%arg9 : memref<16x1536xf32, #tpu.memory_space<vmem>>) target(%dma_start3A_192 : memref<16x1536xf32, #tpu.memory_space<hbm>>) target_semaphore(%arg13 : memref<!tpu.dma_semaphore, #tpu.memory_space<semaphore_mem>>)
    %dma_wait3A_193 = arith.constant 0 : i32
    %dma_wait3A_194 = tpu.memref_slice %arg6[%add3A_168, %dma_wait3A_193] : memref<3584x1536xf32, #tpu.memory_space<hbm>> -> memref<16x1536xf32, #tpu.memory_space<hbm>>
    %dma_wait3A_195 = arith.constant 0 : i32
    %dma_wait3A_196 = tpu.memref_slice %arg6[%add3A_168, %dma_wait3A_195] : memref<3584x1536xf32, #tpu.memory_space<hbm>> -> memref<16x1536xf32, #tpu.memory_space<hbm>>
    tpu.wait_dma2 semaphore(%arg12 : memref<!tpu.dma_semaphore, #tpu.memory_space<semaphore_mem>>) src(%arg8 : memref<16x1536xf32, #tpu.memory_space<vmem>>) dst(%dma_wait3A_196 : memref<16x1536xf32, #tpu.memory_space<hbm>>)
    %dma_start3A_197 = arith.constant 48 : i32
    %dma_start3A_198 = tpu.memref_slice %arg7[%dma_start3A_197] : memref<112xi32, #tpu.memory_space<vmem>> -> memref<16xi32, #tpu.memory_space<vmem>>
    %dma_start3A_199 = arith.constant 0 : i32
    %dma_start3A_200 = arith.constant 0 : i32
    %dma_start3A_201 = tpu.memref_slice %arg3[%dma_start3A_199, %dma_start3A_200] : memref<3136x1536xf32, #tpu.memory_space<hbm>> -> memref<3136x1536xf32, #tpu.memory_space<hbm>>
    tpu.enqueue_indirect_dma source(%dma_start3A_201 : memref<3136x1536xf32, #tpu.memory_space<hbm>>) target(%arg8 : memref<16x1536xf32, #tpu.memory_space<vmem>>) offsets(%dma_start3A_198 : memref<16xi32, #tpu.memory_space<vmem>>) semaphore(%arg10 : memref<!tpu.dma_semaphore, #tpu.memory_space<semaphore_mem>>)
    %dma_wait3A_202 = arith.constant 48 : i32
    %dma_wait3A_203 = tpu.memref_slice %arg7[%dma_wait3A_202] : memref<112xi32, #tpu.memory_space<vmem>> -> memref<16xi32, #tpu.memory_space<vmem>>
    %dma_wait3A_204 = arith.constant 0 : i32
    %dma_wait3A_205 = arith.constant 0 : i32
    %dma_wait3A_206 = tpu.memref_slice %arg3[%dma_wait3A_204, %dma_wait3A_205] : memref<3136x1536xf32, #tpu.memory_space<hbm>> -> memref<3136x1536xf32, #tpu.memory_space<hbm>>
    tpu.wait_indirect_dma semaphore(%arg10 : memref<!tpu.dma_semaphore, #tpu.memory_space<semaphore_mem>>) src(%dma_wait3A_206 : memref<3136x1536xf32, #tpu.memory_space<hbm>>) dst(%arg8 : memref<16x1536xf32, #tpu.memory_space<vmem>>)
    %add3A_207 = arith.constant 48 : i32
    %add3A_208 = arith.addi %mul3A_2, %add3A_207 : i32
    %dma_start3A_209 = arith.constant 0 : i32
    %dma_start3A_210 = tpu.memref_slice %arg6[%add3A_208, %dma_start3A_209] : memref<3584x1536xf32, #tpu.memory_space<hbm>> -> memref<16x1536xf32, #tpu.memory_space<hbm>>
    %dma_start3A_211 = arith.constant 0 : i32
    %dma_start3A_212 = tpu.memref_slice %arg6[%add3A_208, %dma_start3A_211] : memref<3584x1536xf32, #tpu.memory_space<hbm>> -> memref<16x1536xf32, #tpu.memory_space<hbm>>
    tpu.enqueue_dma source(%arg8 : memref<16x1536xf32, #tpu.memory_space<vmem>>) target(%dma_start3A_212 : memref<16x1536xf32, #tpu.memory_space<hbm>>) target_semaphore(%arg12 : memref<!tpu.dma_semaphore, #tpu.memory_space<semaphore_mem>>)
    %dma_wait3A_213 = arith.constant 0 : i32
    %dma_wait3A_214 = tpu.memref_slice %arg6[%add3A_188, %dma_wait3A_213] : memref<3584x1536xf32, #tpu.memory_space<hbm>> -> memref<16x1536xf32, #tpu.memory_space<hbm>>
    %dma_wait3A_215 = arith.constant 0 : i32
    %dma_wait3A_216 = tpu.memref_slice %arg6[%add3A_188, %dma_wait3A_215] : memref<3584x1536xf32, #tpu.memory_space<hbm>> -> memref<16x1536xf32, #tpu.memory_space<hbm>>
    tpu.wait_dma2 semaphore(%arg13 : memref<!tpu.dma_semaphore, #tpu.memory_space<semaphore_mem>>) src(%arg9 : memref<16x1536xf32, #tpu.memory_space<vmem>>) dst(%dma_wait3A_216 : memref<16x1536xf32, #tpu.memory_space<hbm>>)
    %dma_start3A_217 = arith.constant 64 : i32
    %dma_start3A_218 = tpu.memref_slice %arg7[%dma_start3A_217] : memref<112xi32, #tpu.memory_space<vmem>> -> memref<16xi32, #tpu.memory_space<vmem>>
    %dma_start3A_219 = arith.constant 0 : i32
    %dma_start3A_220 = arith.constant 0 : i32
    %dma_start3A_221 = tpu.memref_slice %arg3[%dma_start3A_219, %dma_start3A_220] : memref<3136x1536xf32, #tpu.memory_space<hbm>> -> memref<3136x1536xf32, #tpu.memory_space<hbm>>
    tpu.enqueue_indirect_dma source(%dma_start3A_221 : memref<3136x1536xf32, #tpu.memory_space<hbm>>) target(%arg9 : memref<16x1536xf32, #tpu.memory_space<vmem>>) offsets(%dma_start3A_218 : memref<16xi32, #tpu.memory_space<vmem>>) semaphore(%arg11 : memref<!tpu.dma_semaphore, #tpu.memory_space<semaphore_mem>>)
    %dma_wait3A_222 = arith.constant 64 : i32
    %dma_wait3A_223 = tpu.memref_slice %arg7[%dma_wait3A_222] : memref<112xi32, #tpu.memory_space<vmem>> -> memref<16xi32, #tpu.memory_space<vmem>>
    %dma_wait3A_224 = arith.constant 0 : i32
    %dma_wait3A_225 = arith.constant 0 : i32
    %dma_wait3A_226 = tpu.memref_slice %arg3[%dma_wait3A_224, %dma_wait3A_225] : memref<3136x1536xf32, #tpu.memory_space<hbm>> -> memref<3136x1536xf32, #tpu.memory_space<hbm>>
    tpu.wait_indirect_dma semaphore(%arg11 : memref<!tpu.dma_semaphore, #tpu.memory_space<semaphore_mem>>) src(%dma_wait3A_226 : memref<3136x1536xf32, #tpu.memory_space<hbm>>) dst(%arg9 : memref<16x1536xf32, #tpu.memory_space<vmem>>)
    %add3A_227 = arith.constant 64 : i32
    %add3A_228 = arith.addi %mul3A_2, %add3A_227 : i32
    %dma_start3A_229 = arith.constant 0 : i32
    %dma_start3A_230 = tpu.memref_slice %arg6[%add3A_228, %dma_start3A_229] : memref<3584x1536xf32, #tpu.memory_space<hbm>> -> memref<16x1536xf32, #tpu.memory_space<hbm>>
    %dma_start3A_231 = arith.constant 0 : i32
    %dma_start3A_232 = tpu.memref_slice %arg6[%add3A_228, %dma_start3A_231] : memref<3584x1536xf32, #tpu.memory_space<hbm>> -> memref<16x1536xf32, #tpu.memory_space<hbm>>
    tpu.enqueue_dma source(%arg9 : memref<16x1536xf32, #tpu.memory_space<vmem>>) target(%dma_start3A_232 : memref<16x1536xf32, #tpu.memory_space<hbm>>) target_semaphore(%arg13 : memref<!tpu.dma_semaphore, #tpu.memory_space<semaphore_mem>>)
    %dma_wait3A_233 = arith.constant 0 : i32
    %dma_wait3A_234 = tpu.memref_slice %arg6[%add3A_208, %dma_wait3A_233] : memref<3584x1536xf32, #tpu.memory_space<hbm>> -> memref<16x1536xf32, #tpu.memory_space<hbm>>
    %dma_wait3A_235 = arith.constant 0 : i32
    %dma_wait3A_236 = tpu.memref_slice %arg6[%add3A_208, %dma_wait3A_235] : memref<3584x1536xf32, #tpu.memory_space<hbm>> -> memref<16x1536xf32, #tpu.memory_space<hbm>>
    tpu.wait_dma2 semaphore(%arg12 : memref<!tpu.dma_semaphore, #tpu.memory_space<semaphore_mem>>) src(%arg8 : memref<16x1536xf32, #tpu.memory_space<vmem>>) dst(%dma_wait3A_236 : memref<16x1536xf32, #tpu.memory_space<hbm>>)
    %dma_start3A_237 = arith.constant 80 : i32
    %dma_start3A_238 = tpu.memref_slice %arg7[%dma_start3A_237] : memref<112xi32, #tpu.memory_space<vmem>> -> memref<16xi32, #tpu.memory_space<vmem>>
    %dma_start3A_239 = arith.constant 0 : i32
    %dma_start3A_240 = arith.constant 0 : i32
    %dma_start3A_241 = tpu.memref_slice %arg3[%dma_start3A_239, %dma_start3A_240] : memref<3136x1536xf32, #tpu.memory_space<hbm>> -> memref<3136x1536xf32, #tpu.memory_space<hbm>>
    tpu.enqueue_indirect_dma source(%dma_start3A_241 : memref<3136x1536xf32, #tpu.memory_space<hbm>>) target(%arg8 : memref<16x1536xf32, #tpu.memory_space<vmem>>) offsets(%dma_start3A_238 : memref<16xi32, #tpu.memory_space<vmem>>) semaphore(%arg10 : memref<!tpu.dma_semaphore, #tpu.memory_space<semaphore_mem>>)
    %dma_wait3A_242 = arith.constant 80 : i32
    %dma_wait3A_243 = tpu.memref_slice %arg7[%dma_wait3A_242] : memref<112xi32, #tpu.memory_space<vmem>> -> memref<16xi32, #tpu.memory_space<vmem>>
    %dma_wait3A_244 = arith.constant 0 : i32
    %dma_wait3A_245 = arith.constant 0 : i32
    %dma_wait3A_246 = tpu.memref_slice %arg3[%dma_wait3A_244, %dma_wait3A_245] : memref<3136x1536xf32, #tpu.memory_space<hbm>> -> memref<3136x1536xf32, #tpu.memory_space<hbm>>
    tpu.wait_indirect_dma semaphore(%arg10 : memref<!tpu.dma_semaphore, #tpu.memory_space<semaphore_mem>>) src(%dma_wait3A_246 : memref<3136x1536xf32, #tpu.memory_space<hbm>>) dst(%arg8 : memref<16x1536xf32, #tpu.memory_space<vmem>>)
    %add3A_247 = arith.constant 80 : i32
    %add3A_248 = arith.addi %mul3A_2, %add3A_247 : i32
    %dma_start3A_249 = arith.constant 0 : i32
    %dma_start3A_250 = tpu.memref_slice %arg6[%add3A_248, %dma_start3A_249] : memref<3584x1536xf32, #tpu.memory_space<hbm>> -> memref<16x1536xf32, #tpu.memory_space<hbm>>
    %dma_start3A_251 = arith.constant 0 : i32
    %dma_start3A_252 = tpu.memref_slice %arg6[%add3A_248, %dma_start3A_251] : memref<3584x1536xf32, #tpu.memory_space<hbm>> -> memref<16x1536xf32, #tpu.memory_space<hbm>>
    tpu.enqueue_dma source(%arg8 : memref<16x1536xf32, #tpu.memory_space<vmem>>) target(%dma_start3A_252 : memref<16x1536xf32, #tpu.memory_space<hbm>>) target_semaphore(%arg12 : memref<!tpu.dma_semaphore, #tpu.memory_space<semaphore_mem>>)
    %dma_wait3A_253 = arith.constant 0 : i32
    %dma_wait3A_254 = tpu.memref_slice %arg6[%add3A_228, %dma_wait3A_253] : memref<3584x1536xf32, #tpu.memory_space<hbm>> -> memref<16x1536xf32, #tpu.memory_space<hbm>>
    %dma_wait3A_255 = arith.constant 0 : i32
    %dma_wait3A_256 = tpu.memref_slice %arg6[%add3A_228, %dma_wait3A_255] : memref<3584x1536xf32, #tpu.memory_space<hbm>> -> memref<16x1536xf32, #tpu.memory_space<hbm>>
    tpu.wait_dma2 semaphore(%arg13 : memref<!tpu.dma_semaphore, #tpu.memory_space<semaphore_mem>>) src(%arg9 : memref<16x1536xf32, #tpu.memory_space<vmem>>) dst(%dma_wait3A_256 : memref<16x1536xf32, #tpu.memory_space<hbm>>)
    %dma_start3A_257 = arith.constant 96 : i32
    %dma_start3A_258 = tpu.memref_slice %arg7[%dma_start3A_257] : memref<112xi32, #tpu.memory_space<vmem>> -> memref<16xi32, #tpu.memory_space<vmem>>
    %dma_start3A_259 = arith.constant 0 : i32
    %dma_start3A_260 = arith.constant 0 : i32
    %dma_start3A_261 = tpu.memref_slice %arg3[%dma_start3A_259, %dma_start3A_260] : memref<3136x1536xf32, #tpu.memory_space<hbm>> -> memref<3136x1536xf32, #tpu.memory_space<hbm>>
    tpu.enqueue_indirect_dma source(%dma_start3A_261 : memref<3136x1536xf32, #tpu.memory_space<hbm>>) target(%arg9 : memref<16x1536xf32, #tpu.memory_space<vmem>>) offsets(%dma_start3A_258 : memref<16xi32, #tpu.memory_space<vmem>>) semaphore(%arg11 : memref<!tpu.dma_semaphore, #tpu.memory_space<semaphore_mem>>)
    %dma_wait3A_262 = arith.constant 96 : i32
    %dma_wait3A_263 = tpu.memref_slice %arg7[%dma_wait3A_262] : memref<112xi32, #tpu.memory_space<vmem>> -> memref<16xi32, #tpu.memory_space<vmem>>
    %dma_wait3A_264 = arith.constant 0 : i32
    %dma_wait3A_265 = arith.constant 0 : i32
    %dma_wait3A_266 = tpu.memref_slice %arg3[%dma_wait3A_264, %dma_wait3A_265] : memref<3136x1536xf32, #tpu.memory_space<hbm>> -> memref<3136x1536xf32, #tpu.memory_space<hbm>>
    tpu.wait_indirect_dma semaphore(%arg11 : memref<!tpu.dma_semaphore, #tpu.memory_space<semaphore_mem>>) src(%dma_wait3A_266 : memref<3136x1536xf32, #tpu.memory_space<hbm>>) dst(%arg9 : memref<16x1536xf32, #tpu.memory_space<vmem>>)
    %add3A_267 = arith.constant 96 : i32
    %add3A_268 = arith.addi %mul3A_2, %add3A_267 : i32
    %dma_start3A_269 = arith.constant 0 : i32
    %dma_start3A_270 = tpu.memref_slice %arg6[%add3A_268, %dma_start3A_269] : memref<3584x1536xf32, #tpu.memory_space<hbm>> -> memref<16x1536xf32, #tpu.memory_space<hbm>>
    %dma_start3A_271 = arith.constant 0 : i32
    %dma_start3A_272 = tpu.memref_slice %arg6[%add3A_268, %dma_start3A_271] : memref<3584x1536xf32, #tpu.memory_space<hbm>> -> memref<16x1536xf32, #tpu.memory_space<hbm>>
    tpu.enqueue_dma source(%arg9 : memref<16x1536xf32, #tpu.memory_space<vmem>>) target(%dma_start3A_272 : memref<16x1536xf32, #tpu.memory_space<hbm>>) target_semaphore(%arg13 : memref<!tpu.dma_semaphore, #tpu.memory_space<semaphore_mem>>)
    %dma_wait3A_273 = arith.constant 0 : i32
    %dma_wait3A_274 = tpu.memref_slice %arg6[%add3A_248, %dma_wait3A_273] : memref<3584x1536xf32, #tpu.memory_space<hbm>> -> memref<16x1536xf32, #tpu.memory_space<hbm>>
    %dma_wait3A_275 = arith.constant 0 : i32
    %dma_wait3A_276 = tpu.memref_slice %arg6[%add3A_248, %dma_wait3A_275] : memref<3584x1536xf32, #tpu.memory_space<hbm>> -> memref<16x1536xf32, #tpu.memory_space<hbm>>
    tpu.wait_dma2 semaphore(%arg12 : memref<!tpu.dma_semaphore, #tpu.memory_space<semaphore_mem>>) src(%arg8 : memref<16x1536xf32, #tpu.memory_space<vmem>>) dst(%dma_wait3A_276 : memref<16x1536xf32, #tpu.memory_space<hbm>>)
    %dma_wait3A_277 = arith.constant 0 : i32
    %dma_wait3A_278 = tpu.memref_slice %arg6[%add3A_268, %dma_wait3A_277] : memref<3584x1536xf32, #tpu.memory_space<hbm>> -> memref<16x1536xf32, #tpu.memory_space<hbm>>
    %dma_wait3A_279 = arith.constant 0 : i32
    %dma_wait3A_280 = tpu.memref_slice %arg6[%add3A_268, %dma_wait3A_279] : memref<3584x1536xf32, #tpu.memory_space<hbm>> -> memref<16x1536xf32, #tpu.memory_space<hbm>>
    tpu.wait_dma2 semaphore(%arg13 : memref<!tpu.dma_semaphore, #tpu.memory_space<semaphore_mem>>) src(%arg9 : memref<16x1536xf32, #tpu.memory_space<vmem>>) dst(%dma_wait3A_280 : memref<16x1536xf32, #tpu.memory_space<hbm>>)
    return
  }
}

module attributes {stable_mosaic.version = 14 : i64} {
  func.func @_dist_body(%arg0: i32, %arg1: memref<3136x96xf32, #tpu.memory_space<vmem>>, %arg2: memref<64x96xf32, #tpu.memory_space<vmem>>, %arg3: memref<1x1x64xi32, #tpu.memory_space<vmem>>) attributes {dimension_semantics = [#tpu.dimension_semantics<arbitrary>], iteration_bounds = array<i64: 56>, scalar_prefetch = 0 : i64, scratch_operands = 0 : i64, tpu.core_type = #tpu.core_type<tc>, window_params = [{pipeline_mode = #tpu.pipeline_mode<synchronous>, transform_indices = @transform_0, window_bounds = array<i64: 3136, 96>}, {transform_indices = @transform_1, window_bounds = array<i64: 64, 96>}, {transform_indices = @transform_2, window_bounds = array<i64: 1, 1, 64>}]} {
    %get3A = arith.constant 0 : index
    %get3A_0 = arith.constant 0 : index
    %get3A_1 = vector.load %arg1[%get3A, %get3A_0] : memref<3136x96xf32, #tpu.memory_space<vmem>>, vector<3136x96xf32>
    %get3A_2 = arith.constant 0 : index
    %get3A_3 = arith.constant 0 : index
    %get3A_4 = vector.load %arg2[%get3A_2, %get3A_3] : memref<64x96xf32, #tpu.memory_space<vmem>>, vector<64x96xf32>
    %mul3A = arith.mulf %get3A_1, %get3A_1 : vector<3136x96xf32>
    %reduce_sum3A = arith.constant dense<0.000000e+00> : vector<3136xf32>
    %reduce_sum3A_5 = vector.multi_reduction <add>, %mul3A, %reduce_sum3A [1] : vector<3136x96xf32> to vector<3136xf32>
    %broadcast_in_dim3A = vector.shape_cast %reduce_sum3A_5 : vector<3136xf32> to vector<3136x1xf32>
    %mul3A_6 = arith.mulf %get3A_4, %get3A_4 : vector<64x96xf32>
    %reduce_sum3A_7 = arith.constant dense<0.000000e+00> : vector<64xf32>
    %reduce_sum3A_8 = vector.multi_reduction <add>, %mul3A_6, %reduce_sum3A_7 [1] : vector<64x96xf32> to vector<64xf32>
    %convert_element_type3A = arith.truncf %get3A_1 : vector<3136x96xf32> to vector<3136x96xbf16>
    %convert_element_type3A_9 = arith.truncf %get3A_4 : vector<64x96xf32> to vector<64x96xbf16>
    %dot_general3A = arith.constant dense<0.000000e+00> : vector<3136x64xf32>
    %dot_general3A_10 = tpu.matmul %convert_element_type3A, %convert_element_type3A_9, %dot_general3A {dimension_numbers = #tpu.dot_dimension_numbers<[1], [1], [0], [0], [0, 0, 1, 0], [], []>, transpose_lhs_hint = false} : vector<3136x96xbf16>, vector<64x96xbf16>, vector<3136x64xf32> -> vector<3136x64xf32>
    %broadcast_in_dim3A_11 = vector.shape_cast %reduce_sum3A_8 : vector<64xf32> to vector<1x64xf32>
    %add3A = vector.broadcast %broadcast_in_dim3A : vector<3136x1xf32> to vector<3136x64xf32>
    %add3A_12 = vector.broadcast %broadcast_in_dim3A_11 : vector<1x64xf32> to vector<3136x64xf32>
    %add3A_13 = arith.addf %add3A, %add3A_12 : vector<3136x64xf32>
    %mul3A_14 = arith.constant 2.000000e+00 : f32
    %mul3A_15 = vector.broadcast %mul3A_14 : f32 to vector<3136x64xf32>
    %mul3A_16 = arith.mulf %mul3A_15, %dot_general3A_10 : vector<3136x64xf32>
    %sub3A = arith.subf %add3A_13, %mul3A_16 : vector<3136x64xf32>
    %jit3A = arith.constant 1.000000e-30 : f32
    %max3A = vector.broadcast %jit3A : f32 to vector<3136x64xf32>
    %max3A_17 = arith.maximumf %max3A, %sub3A : vector<3136x64xf32>
    %sqrt3A = math.sqrt %max3A_17 : vector<3136x64xf32>
    %iota3A = tpu.iota {dimensions = array<i32: 0>} : vector<3136x64xi32>
    %reduce_min3A = arith.constant dense<0x7F800000> : vector<64xf32>
    %reduce_min3A_18 = vector.multi_reduction <minimumf>, %sqrt3A, %reduce_min3A [0] : vector<3136x64xf32> to vector<64xf32>
    %broadcast_in_dim3A_19 = vector.shape_cast %reduce_min3A_18 : vector<64xf32> to vector<1x64xf32>
    %le3A = vector.broadcast %broadcast_in_dim3A_19 : vector<1x64xf32> to vector<3136x64xf32>
    %le3A_20 = arith.cmpf ole, %sqrt3A, %le3A : vector<3136x64xf32>
    %jit3A_21 = arith.constant 1073741824 : i32
    %broadcast_in_dim3A_22 = vector.broadcast %jit3A_21 : i32 to vector<3136x64xi32>
    %select_n3A = arith.select %le3A_20, %iota3A, %broadcast_in_dim3A_22 : vector<3136x64xi1>, vector<3136x64xi32>
    %reduce_min3A_23 = arith.constant dense<2147483647> : vector<64xi32>
    %reduce_min3A_24 = vector.multi_reduction <minsi>, %select_n3A, %reduce_min3A_23 [0] : vector<3136x64xi32> to vector<64xi32>
    %jit3A_25 = arith.constant 0 : i32
    %jit3A_26 = arith.constant 3135 : i32
    %max3A_27 = vector.broadcast %jit3A_25 : i32 to vector<64xi32>
    %max3A_28 = arith.maxsi %max3A_27, %reduce_min3A_24 : vector<64xi32>
    %min3A = vector.broadcast %jit3A_26 : i32 to vector<64xi32>
    %min3A_29 = arith.minsi %min3A, %max3A_28 : vector<64xi32>
    %swap3A = arith.constant 0 : index
    %swap3A_30 = arith.constant 0 : index
    %swap3A_31 = arith.constant 0 : index
    %swap3A_32 = vector.load %arg3[%swap3A, %swap3A_30, %swap3A_31] : memref<1x1x64xi32, #tpu.memory_space<vmem>>, vector<1x1x64xi32>
    %swap3A_33 = vector.shape_cast %swap3A_32 : vector<1x1x64xi32> to vector<64xi32>
    %swap3A_34 = vector.shape_cast %min3A_29 : vector<64xi32> to vector<1x1x64xi32>
    tpu.vector_store %arg3[%swap3A, %swap3A_30, %swap3A_31], %swap3A_34 {strides = array<i32>} : memref<1x1x64xi32, #tpu.memory_space<vmem>>, vector<1x1x64xi32>,
    return
  }
  func.func @transform_0(%arg0: i32) -> (i32, i32) {
    %c0_i32 = arith.constant 0 : i32
    %c0_i32_0 = arith.constant 0 : i32
    %c0_i32_1 = arith.constant 0 : i32
    return %c0_i32, %c0_i32_0 : i32, i32
  }
  func.func @transform_1(%arg0: i32) -> (i32, i32) {
    %c0_i32 = arith.constant 0 : i32
    %c0_i32_0 = arith.constant 0 : i32
    return %arg0, %c0_i32 : i32, i32
  }
  func.func @transform_2(%arg0: i32) -> (i32, i32, i32) {
    %c0_i32 = arith.constant 0 : i32
    %c0_i32_0 = arith.constant 0 : i32
    %c0_i32_1 = arith.constant 0 : i32
    return %arg0, %c0_i32, %c0_i32_0 : i32, i32, i32
  }
}

module attributes {stable_mosaic.version = 14 : i64} {
  func.func @_unfold_pool_body(%arg0: i32, %arg1: memref<96x1x4x224xf32, #tpu.memory_space<vmem>>, %arg2: memref<96x1x4x224xf32, #tpu.memory_space<vmem>>, %arg3: memref<96x1x4x224xf32, #tpu.memory_space<vmem>>, %arg4: memref<56x4x4x96xf32, #tpu.memory_space<vmem>>, %arg5: memref<56x4x4x96xf32, #tpu.memory_space<vmem>>, %arg6: memref<56x4x4x96xf32, #tpu.memory_space<vmem>>, %arg7: memref<56x96xf32, #tpu.memory_space<vmem>>, %arg8: memref<56x96xf32, #tpu.memory_space<vmem>>) attributes {dimension_semantics = [#tpu.dimension_semantics<arbitrary>], iteration_bounds = array<i64: 56>, scalar_prefetch = 0 : i64, scratch_operands = 0 : i64, tpu.core_type = #tpu.core_type<tc>, window_params = [{transform_indices = @transform_0, window_bounds = array<i64: 96, 1, 4, 224>}, {transform_indices = @transform_1, window_bounds = array<i64: 96, 1, 4, 224>}, {transform_indices = @transform_2, window_bounds = array<i64: 96, 1, 4, 224>}, {transform_indices = @transform_3, window_bounds = array<i64: 56, 4, 4, 96>}, {transform_indices = @transform_4, window_bounds = array<i64: 56, 4, 4, 96>}, {transform_indices = @transform_5, window_bounds = array<i64: 56, 4, 4, 96>}, {transform_indices = @transform_6, window_bounds = array<i64: 56, 96>}, {transform_indices = @transform_7, window_bounds = array<i64: 56, 96>}]} {
    %get3A = arith.constant 0 : index
    %get3A_0 = arith.constant 0 : index
    %get3A_1 = arith.constant 0 : index
    %get3A_2 = arith.constant 0 : index
    %get3A_3 = vector.load %arg1[%get3A, %get3A_0, %get3A_1, %get3A_2] : memref<96x1x4x224xf32, #tpu.memory_space<vmem>>, vector<96x1x4x224xf32>
    %reshape3A = vector.shape_cast %get3A_3 : vector<96x1x4x224xf32> to vector<96x896xf32>
    %transpose3A = tpu.transpose %reshape3A, [1, 0] : vector<96x896xf32> -> vector<896x96xf32>
    %reshape3A_4 = vector.shape_cast %transpose3A : vector<896x96xf32> to vector<4x56x4x96xf32>
    %transpose3A_5 = tpu.transpose %reshape3A_4, [1, 0, 2, 3] : vector<4x56x4x96xf32> -> vector<56x4x4x96xf32>
    %swap3A = arith.constant 0 : index
    %swap3A_6 = arith.constant 0 : index
    %swap3A_7 = arith.constant 0 : index
    %swap3A_8 = arith.constant 0 : index
    %swap3A_9 = vector.load %arg4[%swap3A, %swap3A_6, %swap3A_7, %swap3A_8] : memref<56x4x4x96xf32, #tpu.memory_space<vmem>>, vector<56x4x4x96xf32>
    tpu.vector_store %arg4[%swap3A, %swap3A_6, %swap3A_7, %swap3A_8], %transpose3A_5 {strides = array<i32>} : memref<56x4x4x96xf32, #tpu.memory_space<vmem>>, vector<56x4x4x96xf32>,
    %get3A_10 = arith.constant 0 : index
    %get3A_11 = arith.constant 0 : index
    %get3A_12 = arith.constant 0 : index
    %get3A_13 = arith.constant 0 : index
    %get3A_14 = vector.load %arg2[%get3A_10, %get3A_11, %get3A_12, %get3A_13] : memref<96x1x4x224xf32, #tpu.memory_space<vmem>>, vector<96x1x4x224xf32>
    %reshape3A_15 = vector.shape_cast %get3A_14 : vector<96x1x4x224xf32> to vector<96x896xf32>
    %transpose3A_16 = tpu.transpose %reshape3A_15, [1, 0] : vector<96x896xf32> -> vector<896x96xf32>
    %reshape3A_17 = vector.shape_cast %transpose3A_16 : vector<896x96xf32> to vector<4x56x4x96xf32>
    %transpose3A_18 = tpu.transpose %reshape3A_17, [1, 0, 2, 3] : vector<4x56x4x96xf32> -> vector<56x4x4x96xf32>
    %swap3A_19 = arith.constant 0 : index
    %swap3A_20 = arith.constant 0 : index
    %swap3A_21 = arith.constant 0 : index
    %swap3A_22 = arith.constant 0 : index
    %swap3A_23 = vector.load %arg5[%swap3A_19, %swap3A_20, %swap3A_21, %swap3A_22] : memref<56x4x4x96xf32, #tpu.memory_space<vmem>>, vector<56x4x4x96xf32>
    tpu.vector_store %arg5[%swap3A_19, %swap3A_20, %swap3A_21, %swap3A_22], %transpose3A_18 {strides = array<i32>} : memref<56x4x4x96xf32, #tpu.memory_space<vmem>>, vector<56x4x4x96xf32>,
    %get3A_24 = arith.constant 0 : index
    %get3A_25 = arith.constant 0 : index
    %get3A_26 = arith.constant 0 : index
    %get3A_27 = arith.constant 0 : index
    %get3A_28 = vector.load %arg3[%get3A_24, %get3A_25, %get3A_26, %get3A_27] : memref<96x1x4x224xf32, #tpu.memory_space<vmem>>, vector<96x1x4x224xf32>
    %reshape3A_29 = vector.shape_cast %get3A_28 : vector<96x1x4x224xf32> to vector<96x896xf32>
    %transpose3A_30 = tpu.transpose %reshape3A_29, [1, 0] : vector<96x896xf32> -> vector<896x96xf32>
    %reshape3A_31 = vector.shape_cast %transpose3A_30 : vector<896x96xf32> to vector<4x56x4x96xf32>
    %transpose3A_32 = tpu.transpose %reshape3A_31, [1, 0, 2, 3] : vector<4x56x4x96xf32> -> vector<56x4x4x96xf32>
    %swap3A_33 = arith.constant 0 : index
    %swap3A_34 = arith.constant 0 : index
    %swap3A_35 = arith.constant 0 : index
    %swap3A_36 = arith.constant 0 : index
    %swap3A_37 = vector.load %arg6[%swap3A_33, %swap3A_34, %swap3A_35, %swap3A_36] : memref<56x4x4x96xf32, #tpu.memory_space<vmem>>, vector<56x4x4x96xf32>
    tpu.vector_store %arg6[%swap3A_33, %swap3A_34, %swap3A_35, %swap3A_36], %transpose3A_32 {strides = array<i32>} : memref<56x4x4x96xf32, #tpu.memory_space<vmem>>, vector<56x4x4x96xf32>,
    %slice3A = vector.extract_strided_slice %transpose3A_5 {offsets = [0, 0, 0, 0], sizes = [56, 1, 1, 96], strides = [1, 1, 1, 1]} : vector<56x4x4x96xf32> to vector<56x1x1x96xf32>
    %squeeze3A = vector.shape_cast %slice3A : vector<56x1x1x96xf32> to vector<56x96xf32>
    %slice3A_38 = vector.extract_strided_slice %transpose3A_5 {offsets = [0, 0, 1, 0], sizes = [56, 1, 1, 96], strides = [1, 1, 1, 1]} : vector<56x4x4x96xf32> to vector<56x1x1x96xf32>
    %squeeze3A_39 = vector.shape_cast %slice3A_38 : vector<56x1x1x96xf32> to vector<56x96xf32>
    %add3A = arith.addf %squeeze3A, %squeeze3A_39 : vector<56x96xf32>
    %slice3A_40 = vector.extract_strided_slice %transpose3A_5 {offsets = [0, 0, 2, 0], sizes = [56, 1, 1, 96], strides = [1, 1, 1, 1]} : vector<56x4x4x96xf32> to vector<56x1x1x96xf32>
    %squeeze3A_41 = vector.shape_cast %slice3A_40 : vector<56x1x1x96xf32> to vector<56x96xf32>
    %add3A_42 = arith.addf %add3A, %squeeze3A_41 : vector<56x96xf32>
    %slice3A_43 = vector.extract_strided_slice %transpose3A_5 {offsets = [0, 0, 3, 0], sizes = [56, 1, 1, 96], strides = [1, 1, 1, 1]} : vector<56x4x4x96xf32> to vector<56x1x1x96xf32>
    %squeeze3A_44 = vector.shape_cast %slice3A_43 : vector<56x1x1x96xf32> to vector<56x96xf32>
    %add3A_45 = arith.addf %add3A_42, %squeeze3A_44 : vector<56x96xf32>
    %slice3A_46 = vector.extract_strided_slice %transpose3A_5 {offsets = [0, 1, 0, 0], sizes = [56, 1, 1, 96], strides = [1, 1, 1, 1]} : vector<56x4x4x96xf32> to vector<56x1x1x96xf32>
    %squeeze3A_47 = vector.shape_cast %slice3A_46 : vector<56x1x1x96xf32> to vector<56x96xf32>
    %add3A_48 = arith.addf %add3A_45, %squeeze3A_47 : vector<56x96xf32>
    %slice3A_49 = vector.extract_strided_slice %transpose3A_5 {offsets = [0, 1, 1, 0], sizes = [56, 1, 1, 96], strides = [1, 1, 1, 1]} : vector<56x4x4x96xf32> to vector<56x1x1x96xf32>
    %squeeze3A_50 = vector.shape_cast %slice3A_49 : vector<56x1x1x96xf32> to vector<56x96xf32>
    %add3A_51 = arith.addf %add3A_48, %squeeze3A_50 : vector<56x96xf32>
    %slice3A_52 = vector.extract_strided_slice %transpose3A_5 {offsets = [0, 1, 2, 0], sizes = [56, 1, 1, 96], strides = [1, 1, 1, 1]} : vector<56x4x4x96xf32> to vector<56x1x1x96xf32>
    %squeeze3A_53 = vector.shape_cast %slice3A_52 : vector<56x1x1x96xf32> to vector<56x96xf32>
    %add3A_54 = arith.addf %add3A_51, %squeeze3A_53 : vector<56x96xf32>
    %slice3A_55 = vector.extract_strided_slice %transpose3A_5 {offsets = [0, 1, 3, 0], sizes = [56, 1, 1, 96], strides = [1, 1, 1, 1]} : vector<56x4x4x96xf32> to vector<56x1x1x96xf32>
    %squeeze3A_56 = vector.shape_cast %slice3A_55 : vector<56x1x1x96xf32> to vector<56x96xf32>
    %add3A_57 = arith.addf %add3A_54, %squeeze3A_56 : vector<56x96xf32>
    %slice3A_58 = vector.extract_strided_slice %transpose3A_5 {offsets = [0, 2, 0, 0], sizes = [56, 1, 1, 96], strides = [1, 1, 1, 1]} : vector<56x4x4x96xf32> to vector<56x1x1x96xf32>
    %squeeze3A_59 = vector.shape_cast %slice3A_58 : vector<56x1x1x96xf32> to vector<56x96xf32>
    %add3A_60 = arith.addf %add3A_57, %squeeze3A_59 : vector<56x96xf32>
    %slice3A_61 = vector.extract_strided_slice %transpose3A_5 {offsets = [0, 2, 1, 0], sizes = [56, 1, 1, 96], strides = [1, 1, 1, 1]} : vector<56x4x4x96xf32> to vector<56x1x1x96xf32>
    %squeeze3A_62 = vector.shape_cast %slice3A_61 : vector<56x1x1x96xf32> to vector<56x96xf32>
    %add3A_63 = arith.addf %add3A_60, %squeeze3A_62 : vector<56x96xf32>
    %slice3A_64 = vector.extract_strided_slice %transpose3A_5 {offsets = [0, 2, 2, 0], sizes = [56, 1, 1, 96], strides = [1, 1, 1, 1]} : vector<56x4x4x96xf32> to vector<56x1x1x96xf32>
    %squeeze3A_65 = vector.shape_cast %slice3A_64 : vector<56x1x1x96xf32> to vector<56x96xf32>
    %add3A_66 = arith.addf %add3A_63, %squeeze3A_65 : vector<56x96xf32>
    %slice3A_67 = vector.extract_strided_slice %transpose3A_5 {offsets = [0, 2, 3, 0], sizes = [56, 1, 1, 96], strides = [1, 1, 1, 1]} : vector<56x4x4x96xf32> to vector<56x1x1x96xf32>
    %squeeze3A_68 = vector.shape_cast %slice3A_67 : vector<56x1x1x96xf32> to vector<56x96xf32>
    %add3A_69 = arith.addf %add3A_66, %squeeze3A_68 : vector<56x96xf32>
    %slice3A_70 = vector.extract_strided_slice %transpose3A_5 {offsets = [0, 3, 0, 0], sizes = [56, 1, 1, 96], strides = [1, 1, 1, 1]} : vector<56x4x4x96xf32> to vector<56x1x1x96xf32>
    %squeeze3A_71 = vector.shape_cast %slice3A_70 : vector<56x1x1x96xf32> to vector<56x96xf32>
    %add3A_72 = arith.addf %add3A_69, %squeeze3A_71 : vector<56x96xf32>
    %slice3A_73 = vector.extract_strided_slice %transpose3A_5 {offsets = [0, 3, 1, 0], sizes = [56, 1, 1, 96], strides = [1, 1, 1, 1]} : vector<56x4x4x96xf32> to vector<56x1x1x96xf32>
    %squeeze3A_74 = vector.shape_cast %slice3A_73 : vector<56x1x1x96xf32> to vector<56x96xf32>
    %add3A_75 = arith.addf %add3A_72, %squeeze3A_74 : vector<56x96xf32>
    %slice3A_76 = vector.extract_strided_slice %transpose3A_5 {offsets = [0, 3, 2, 0], sizes = [56, 1, 1, 96], strides = [1, 1, 1, 1]} : vector<56x4x4x96xf32> to vector<56x1x1x96xf32>
    %squeeze3A_77 = vector.shape_cast %slice3A_76 : vector<56x1x1x96xf32> to vector<56x96xf32>
    %add3A_78 = arith.addf %add3A_75, %squeeze3A_77 : vector<56x96xf32>
    %slice3A_79 = vector.extract_strided_slice %transpose3A_5 {offsets = [0, 3, 3, 0], sizes = [56, 1, 1, 96], strides = [1, 1, 1, 1]} : vector<56x4x4x96xf32> to vector<56x1x1x96xf32>
    %squeeze3A_80 = vector.shape_cast %slice3A_79 : vector<56x1x1x96xf32> to vector<56x96xf32>
    %add3A_81 = arith.addf %add3A_78, %squeeze3A_80 : vector<56x96xf32>
    %mul3A = arith.constant 6.250000e-02 : f32
    %mul3A_82 = vector.broadcast %mul3A : f32 to vector<56x96xf32>
    %mul3A_83 = arith.mulf %add3A_81, %mul3A_82 : vector<56x96xf32>
    %swap3A_84 = arith.constant 0 : index
    %swap3A_85 = arith.constant 0 : index
    %swap3A_86 = vector.load %arg7[%swap3A_84, %swap3A_85] : memref<56x96xf32, #tpu.memory_space<vmem>>, vector<56x96xf32>
    tpu.vector_store %arg7[%swap3A_84, %swap3A_85], %mul3A_83 {strides = array<i32>} : memref<56x96xf32, #tpu.memory_space<vmem>>, vector<56x96xf32>,
    %slice3A_87 = vector.extract_strided_slice %transpose3A_18 {offsets = [0, 0, 0, 0], sizes = [56, 1, 1, 96], strides = [1, 1, 1, 1]} : vector<56x4x4x96xf32> to vector<56x1x1x96xf32>
    %squeeze3A_88 = vector.shape_cast %slice3A_87 : vector<56x1x1x96xf32> to vector<56x96xf32>
    %slice3A_89 = vector.extract_strided_slice %transpose3A_18 {offsets = [0, 0, 1, 0], sizes = [56, 1, 1, 96], strides = [1, 1, 1, 1]} : vector<56x4x4x96xf32> to vector<56x1x1x96xf32>
    %squeeze3A_90 = vector.shape_cast %slice3A_89 : vector<56x1x1x96xf32> to vector<56x96xf32>
    %add3A_91 = arith.addf %squeeze3A_88, %squeeze3A_90 : vector<56x96xf32>
    %slice3A_92 = vector.extract_strided_slice %transpose3A_18 {offsets = [0, 0, 2, 0], sizes = [56, 1, 1, 96], strides = [1, 1, 1, 1]} : vector<56x4x4x96xf32> to vector<56x1x1x96xf32>
    %squeeze3A_93 = vector.shape_cast %slice3A_92 : vector<56x1x1x96xf32> to vector<56x96xf32>
    %add3A_94 = arith.addf %add3A_91, %squeeze3A_93 : vector<56x96xf32>
    %slice3A_95 = vector.extract_strided_slice %transpose3A_18 {offsets = [0, 0, 3, 0], sizes = [56, 1, 1, 96], strides = [1, 1, 1, 1]} : vector<56x4x4x96xf32> to vector<56x1x1x96xf32>
    %squeeze3A_96 = vector.shape_cast %slice3A_95 : vector<56x1x1x96xf32> to vector<56x96xf32>
    %add3A_97 = arith.addf %add3A_94, %squeeze3A_96 : vector<56x96xf32>
    %slice3A_98 = vector.extract_strided_slice %transpose3A_18 {offsets = [0, 1, 0, 0], sizes = [56, 1, 1, 96], strides = [1, 1, 1, 1]} : vector<56x4x4x96xf32> to vector<56x1x1x96xf32>
    %squeeze3A_99 = vector.shape_cast %slice3A_98 : vector<56x1x1x96xf32> to vector<56x96xf32>
    %add3A_100 = arith.addf %add3A_97, %squeeze3A_99 : vector<56x96xf32>
    %slice3A_101 = vector.extract_strided_slice %transpose3A_18 {offsets = [0, 1, 1, 0], sizes = [56, 1, 1, 96], strides = [1, 1, 1, 1]} : vector<56x4x4x96xf32> to vector<56x1x1x96xf32>
    %squeeze3A_102 = vector.shape_cast %slice3A_101 : vector<56x1x1x96xf32> to vector<56x96xf32>
    %add3A_103 = arith.addf %add3A_100, %squeeze3A_102 : vector<56x96xf32>
    %slice3A_104 = vector.extract_strided_slice %transpose3A_18 {offsets = [0, 1, 2, 0], sizes = [56, 1, 1, 96], strides = [1, 1, 1, 1]} : vector<56x4x4x96xf32> to vector<56x1x1x96xf32>
    %squeeze3A_105 = vector.shape_cast %slice3A_104 : vector<56x1x1x96xf32> to vector<56x96xf32>
    %add3A_106 = arith.addf %add3A_103, %squeeze3A_105 : vector<56x96xf32>
    %slice3A_107 = vector.extract_strided_slice %transpose3A_18 {offsets = [0, 1, 3, 0], sizes = [56, 1, 1, 96], strides = [1, 1, 1, 1]} : vector<56x4x4x96xf32> to vector<56x1x1x96xf32>
    %squeeze3A_108 = vector.shape_cast %slice3A_107 : vector<56x1x1x96xf32> to vector<56x96xf32>
    %add3A_109 = arith.addf %add3A_106, %squeeze3A_108 : vector<56x96xf32>
    %slice3A_110 = vector.extract_strided_slice %transpose3A_18 {offsets = [0, 2, 0, 0], sizes = [56, 1, 1, 96], strides = [1, 1, 1, 1]} : vector<56x4x4x96xf32> to vector<56x1x1x96xf32>
    %squeeze3A_111 = vector.shape_cast %slice3A_110 : vector<56x1x1x96xf32> to vector<56x96xf32>
    %add3A_112 = arith.addf %add3A_109, %squeeze3A_111 : vector<56x96xf32>
    %slice3A_113 = vector.extract_strided_slice %transpose3A_18 {offsets = [0, 2, 1, 0], sizes = [56, 1, 1, 96], strides = [1, 1, 1, 1]} : vector<56x4x4x96xf32> to vector<56x1x1x96xf32>
    %squeeze3A_114 = vector.shape_cast %slice3A_113 : vector<56x1x1x96xf32> to vector<56x96xf32>
    %add3A_115 = arith.addf %add3A_112, %squeeze3A_114 : vector<56x96xf32>
    %slice3A_116 = vector.extract_strided_slice %transpose3A_18 {offsets = [0, 2, 2, 0], sizes = [56, 1, 1, 96], strides = [1, 1, 1, 1]} : vector<56x4x4x96xf32> to vector<56x1x1x96xf32>
    %squeeze3A_117 = vector.shape_cast %slice3A_116 : vector<56x1x1x96xf32> to vector<56x96xf32>
    %add3A_118 = arith.addf %add3A_115, %squeeze3A_117 : vector<56x96xf32>
    %slice3A_119 = vector.extract_strided_slice %transpose3A_18 {offsets = [0, 2, 3, 0], sizes = [56, 1, 1, 96], strides = [1, 1, 1, 1]} : vector<56x4x4x96xf32> to vector<56x1x1x96xf32>
    %squeeze3A_120 = vector.shape_cast %slice3A_119 : vector<56x1x1x96xf32> to vector<56x96xf32>
    %add3A_121 = arith.addf %add3A_118, %squeeze3A_120 : vector<56x96xf32>
    %slice3A_122 = vector.extract_strided_slice %transpose3A_18 {offsets = [0, 3, 0, 0], sizes = [56, 1, 1, 96], strides = [1, 1, 1, 1]} : vector<56x4x4x96xf32> to vector<56x1x1x96xf32>
    %squeeze3A_123 = vector.shape_cast %slice3A_122 : vector<56x1x1x96xf32> to vector<56x96xf32>
    %add3A_124 = arith.addf %add3A_121, %squeeze3A_123 : vector<56x96xf32>
    %slice3A_125 = vector.extract_strided_slice %transpose3A_18 {offsets = [0, 3, 1, 0], sizes = [56, 1, 1, 96], strides = [1, 1, 1, 1]} : vector<56x4x4x96xf32> to vector<56x1x1x96xf32>
    %squeeze3A_126 = vector.shape_cast %slice3A_125 : vector<56x1x1x96xf32> to vector<56x96xf32>
    %add3A_127 = arith.addf %add3A_124, %squeeze3A_126 : vector<56x96xf32>
    %slice3A_128 = vector.extract_strided_slice %transpose3A_18 {offsets = [0, 3, 2, 0], sizes = [56, 1, 1, 96], strides = [1, 1, 1, 1]} : vector<56x4x4x96xf32> to vector<56x1x1x96xf32>
    %squeeze3A_129 = vector.shape_cast %slice3A_128 : vector<56x1x1x96xf32> to vector<56x96xf32>
    %add3A_130 = arith.addf %add3A_127, %squeeze3A_129 : vector<56x96xf32>
    %slice3A_131 = vector.extract_strided_slice %transpose3A_18 {offsets = [0, 3, 3, 0], sizes = [56, 1, 1, 96], strides = [1, 1, 1, 1]} : vector<56x4x4x96xf32> to vector<56x1x1x96xf32>
    %squeeze3A_132 = vector.shape_cast %slice3A_131 : vector<56x1x1x96xf32> to vector<56x96xf32>
    %add3A_133 = arith.addf %add3A_130, %squeeze3A_132 : vector<56x96xf32>
    %mul3A_134 = arith.constant 6.250000e-02 : f32
    %mul3A_135 = vector.broadcast %mul3A_134 : f32 to vector<56x96xf32>
    %mul3A_136 = arith.mulf %add3A_133, %mul3A_135 : vector<56x96xf32>
    %swap3A_137 = arith.constant 0 : index
    %swap3A_138 = arith.constant 0 : index
    %swap3A_139 = vector.load %arg8[%swap3A_137, %swap3A_138] : memref<56x96xf32, #tpu.memory_space<vmem>>, vector<56x96xf32>
    tpu.vector_store %arg8[%swap3A_137, %swap3A_138], %mul3A_136 {strides = array<i32>} : memref<56x96xf32, #tpu.memory_space<vmem>>, vector<56x96xf32>,
    return
  }
  func.func @transform_0(%arg0: i32) -> (i32, i32, i32, i32) {
    %c0_i32 = arith.constant 0 : i32
    %c0_i32_0 = arith.constant 0 : i32
    %c0_i32_1 = arith.constant 0 : i32
    %c0_i32_2 = arith.constant 0 : i32
    return %c0_i32, %arg0, %c0_i32_0, %c0_i32_1 : i32, i32, i32, i32
  }
  func.func @transform_1(%arg0: i32) -> (i32, i32, i32, i32) {
    %c0_i32 = arith.constant 0 : i32
    %c0_i32_0 = arith.constant 0 : i32
    %c0_i32_1 = arith.constant 0 : i32
    %c0_i32_2 = arith.constant 0 : i32
    return %c0_i32, %arg0, %c0_i32_0, %c0_i32_1 : i32, i32, i32, i32
  }
  func.func @transform_2(%arg0: i32) -> (i32, i32, i32, i32) {
    %c0_i32 = arith.constant 0 : i32
    %c0_i32_0 = arith.constant 0 : i32
    %c0_i32_1 = arith.constant 0 : i32
    %c0_i32_2 = arith.constant 0 : i32
    return %c0_i32, %arg0, %c0_i32_0, %c0_i32_1 : i32, i32, i32, i32
  }
  func.func @transform_3(%arg0: i32) -> (i32, i32, i32, i32) {
    %c0_i32 = arith.constant 0 : i32
    %c0_i32_0 = arith.constant 0 : i32
    %c0_i32_1 = arith.constant 0 : i32
    %c0_i32_2 = arith.constant 0 : i32
    return %arg0, %c0_i32, %c0_i32_0, %c0_i32_1 : i32, i32, i32, i32
  }
  func.func @transform_4(%arg0: i32) -> (i32, i32, i32, i32) {
    %c0_i32 = arith.constant 0 : i32
    %c0_i32_0 = arith.constant 0 : i32
    %c0_i32_1 = arith.constant 0 : i32
    %c0_i32_2 = arith.constant 0 : i32
    return %arg0, %c0_i32, %c0_i32_0, %c0_i32_1 : i32, i32, i32, i32
  }
  func.func @transform_5(%arg0: i32) -> (i32, i32, i32, i32) {
    %c0_i32 = arith.constant 0 : i32
    %c0_i32_0 = arith.constant 0 : i32
    %c0_i32_1 = arith.constant 0 : i32
    %c0_i32_2 = arith.constant 0 : i32
    return %arg0, %c0_i32, %c0_i32_0, %c0_i32_1 : i32, i32, i32, i32
  }
  func.func @transform_6(%arg0: i32) -> (i32, i32) {
    %c0_i32 = arith.constant 0 : i32
    %c0_i32_0 = arith.constant 0 : i32
    return %arg0, %c0_i32 : i32, i32
  }
  func.func @transform_7(%arg0: i32) -> (i32, i32) {
    %c0_i32 = arith.constant 0 : i32
    %c0_i32_0 = arith.constant 0 : i32
    return %arg0, %c0_i32 : i32, i32
  }
}

module attributes {stable_mosaic.version = 14 : i64} {
  func.func @_combine_body(%arg0: i32, %arg1: memref<128x96xf32, #tpu.memory_space<vmem>>, %arg2: memref<128x96xf32, #tpu.memory_space<vmem>>, %arg3: memref<128x96xf32, #tpu.memory_space<vmem>>, %arg4: memref<128x96xf32, #tpu.memory_space<vmem>>) attributes {dimension_semantics = [#tpu.dimension_semantics<arbitrary>], iteration_bounds = array<i64: 392>, scalar_prefetch = 0 : i64, scratch_operands = 0 : i64, tpu.core_type = #tpu.core_type<tc>, window_params = [{transform_indices = @transform_0, window_bounds = array<i64: 128, 96>}, {transform_indices = @transform_1, window_bounds = array<i64: 128, 96>}, {transform_indices = @transform_2, window_bounds = array<i64: 128, 96>}, {transform_indices = @transform_3, window_bounds = array<i64: 128, 96>}]} {
    %get3A = arith.constant 0 : index
    %get3A_0 = arith.constant 0 : index
    %get3A_1 = vector.load %arg1[%get3A, %get3A_0] : memref<128x96xf32, #tpu.memory_space<vmem>>, vector<128x96xf32>
    %get3A_2 = arith.constant 0 : index
    %get3A_3 = arith.constant 0 : index
    %get3A_4 = vector.load %arg2[%get3A_2, %get3A_3] : memref<128x96xf32, #tpu.memory_space<vmem>>, vector<128x96xf32>
    %get3A_5 = arith.constant 0 : index
    %get3A_6 = arith.constant 0 : index
    %get3A_7 = vector.load %arg3[%get3A_5, %get3A_6] : memref<128x96xf32, #tpu.memory_space<vmem>>, vector<128x96xf32>
    %mul3A = arith.mulf %get3A_1, %get3A_1 : vector<128x96xf32>
    %reduce_sum3A = arith.constant dense<0.000000e+00> : vector<128xf32>
    %reduce_sum3A_8 = vector.multi_reduction <add>, %mul3A, %reduce_sum3A [1] : vector<128x96xf32> to vector<128xf32>
    %broadcast_in_dim3A = vector.shape_cast %reduce_sum3A_8 : vector<128xf32> to vector<128x1xf32>
    %mul3A_9 = arith.mulf %get3A_4, %get3A_4 : vector<128x96xf32>
    %reduce_sum3A_10 = arith.constant dense<0.000000e+00> : vector<128xf32>
    %reduce_sum3A_11 = vector.multi_reduction <add>, %mul3A_9, %reduce_sum3A_10 [1] : vector<128x96xf32> to vector<128xf32>
    %convert_element_type3A = arith.truncf %get3A_1 : vector<128x96xf32> to vector<128x96xbf16>
    %convert_element_type3A_12 = arith.extf %convert_element_type3A : vector<128x96xbf16> to vector<128x96xf32>
    %sub3A = arith.subf %get3A_1, %convert_element_type3A_12 : vector<128x96xf32>
    %convert_element_type3A_13 = arith.truncf %sub3A : vector<128x96xf32> to vector<128x96xbf16>
    %convert_element_type3A_14 = arith.truncf %get3A_4 : vector<128x96xf32> to vector<128x96xbf16>
    %convert_element_type3A_15 = arith.extf %convert_element_type3A_14 : vector<128x96xbf16> to vector<128x96xf32>
    %sub3A_16 = arith.subf %get3A_4, %convert_element_type3A_15 : vector<128x96xf32>
    %convert_element_type3A_17 = arith.truncf %sub3A_16 : vector<128x96xf32> to vector<128x96xbf16>
    %dot_general3A = arith.constant dense<0.000000e+00> : vector<128x128xf32>
    %dot_general3A_18 = tpu.matmul %convert_element_type3A, %convert_element_type3A_14, %dot_general3A {dimension_numbers = #tpu.dot_dimension_numbers<[1], [1], [0], [0], [0, 0, 1, 0], [], []>, transpose_lhs_hint = false} : vector<128x96xbf16>, vector<128x96xbf16>, vector<128x128xf32> -> vector<128x128xf32>
    %dot_general3A_19 = arith.constant dense<0.000000e+00> : vector<128x128xf32>
    %dot_general3A_20 = tpu.matmul %convert_element_type3A, %convert_element_type3A_17, %dot_general3A_19 {dimension_numbers = #tpu.dot_dimension_numbers<[1], [1], [0], [0], [0, 0, 1, 0], [], []>, transpose_lhs_hint = false} : vector<128x96xbf16>, vector<128x96xbf16>, vector<128x128xf32> -> vector<128x128xf32>
    %add3A = arith.addf %dot_general3A_18, %dot_general3A_20 : vector<128x128xf32>
    %dot_general3A_21 = arith.constant dense<0.000000e+00> : vector<128x128xf32>
    %dot_general3A_22 = tpu.matmul %convert_element_type3A_13, %convert_element_type3A_14, %dot_general3A_21 {dimension_numbers = #tpu.dot_dimension_numbers<[1], [1], [0], [0], [0, 0, 1, 0], [], []>, transpose_lhs_hint = false} : vector<128x96xbf16>, vector<128x96xbf16>, vector<128x128xf32> -> vector<128x128xf32>
    %add3A_23 = arith.addf %add3A, %dot_general3A_22 : vector<128x128xf32>
    %broadcast_in_dim3A_24 = vector.shape_cast %reduce_sum3A_11 : vector<128xf32> to vector<1x128xf32>
    %add3A_25 = vector.broadcast %broadcast_in_dim3A : vector<128x1xf32> to vector<128x128xf32>
    %add3A_26 = vector.broadcast %broadcast_in_dim3A_24 : vector<1x128xf32> to vector<128x128xf32>
    %add3A_27 = arith.addf %add3A_25, %add3A_26 : vector<128x128xf32>
    %mul3A_28 = arith.constant 2.000000e+00 : f32
    %mul3A_29 = vector.broadcast %mul3A_28 : f32 to vector<128x128xf32>
    %mul3A_30 = arith.mulf %mul3A_29, %add3A_23 : vector<128x128xf32>
    %sub3A_31 = arith.subf %add3A_27, %mul3A_30 : vector<128x128xf32>
    %jit3A = arith.constant 1.000000e-30 : f32
    %max3A = vector.broadcast %jit3A : f32 to vector<128x128xf32>
    %max3A_32 = arith.maximumf %max3A, %sub3A_31 : vector<128x128xf32>
    %sqrt3A = math.sqrt %max3A_32 : vector<128x128xf32>
    %iota3A = tpu.iota {dimensions = array<i32: 0>} : vector<128x128xi32>
    %jit3A_33 = arith.constant 16 : i32
    %div3A = vector.broadcast %jit3A_33 : i32 to vector<128x128xi32>
    %div3A_34 = arith.divsi %iota3A, %div3A : vector<128x128xi32>
    %sign3A = arith.constant 0 : i32
    %sign3A_35 = vector.broadcast %sign3A : i32 to vector<128x128xi32>
    %sign3A_36 = arith.cmpi sgt, %iota3A, %sign3A_35 : vector<128x128xi32>
    %sign3A_37 = arith.extui %sign3A_36 : vector<128x128xi1> to vector<128x128xi32>
    %sign3A_38 = arith.constant 0 : i32
    %sign3A_39 = vector.broadcast %sign3A_38 : i32 to vector<128x128xi32>
    %sign3A_40 = arith.cmpi slt, %iota3A, %sign3A_39 : vector<128x128xi32>
    %sign3A_41 = arith.extui %sign3A_40 : vector<128x128xi1> to vector<128x128xi32>
    %sign3A_42 = arith.subi %sign3A_37, %sign3A_41 : vector<128x128xi32>
    %sign3A_43 = arith.constant 0 : i32
    %sign3A_44 = arith.cmpi sgt, %jit3A_33, %sign3A_43 : i32
    %sign3A_45 = arith.extui %sign3A_44 : i1 to i32
    %sign3A_46 = arith.constant 0 : i32
    %sign3A_47 = arith.cmpi slt, %jit3A_33, %sign3A_46 : i32
    %sign3A_48 = arith.extui %sign3A_47 : i1 to i32
    %sign3A_49 = arith.subi %sign3A_45, %sign3A_48 : i32
    %ne3A = vector.broadcast %sign3A_49 : i32 to vector<128x128xi32>
    %ne3A_50 = arith.cmpi ne, %sign3A_42, %ne3A : vector<128x128xi32>
    %rem3A = vector.broadcast %jit3A_33 : i32 to vector<128x128xi32>
    %rem3A_51 = arith.remsi %iota3A, %rem3A : vector<128x128xi32>
    %ne3A_52 = arith.constant 0 : i32
    %ne3A_53 = vector.broadcast %ne3A_52 : i32 to vector<128x128xi32>
    %ne3A_54 = arith.cmpi ne, %rem3A_51, %ne3A_53 : vector<128x128xi32>
    %and3A = arith.andi %ne3A_50, %ne3A_54 : vector<128x128xi1>
    %sub3A_55 = arith.constant 1 : i32
    %sub3A_56 = vector.broadcast %sub3A_55 : i32 to vector<128x128xi32>
    %sub3A_57 = arith.subi %div3A_34, %sub3A_56 : vector<128x128xi32>
    %select_n3A = arith.select %and3A, %sub3A_57, %div3A_34 : vector<128x128xi1>, vector<128x128xi32>
    %iota3A_58 = tpu.iota {dimensions = array<i32: 1>} : vector<128x128xi32>
    %jit3A_59 = arith.constant 16 : i32
    %div3A_60 = vector.broadcast %jit3A_59 : i32 to vector<128x128xi32>
    %div3A_61 = arith.divsi %iota3A_58, %div3A_60 : vector<128x128xi32>
    %sign3A_62 = arith.constant 0 : i32
    %sign3A_63 = vector.broadcast %sign3A_62 : i32 to vector<128x128xi32>
    %sign3A_64 = arith.cmpi sgt, %iota3A_58, %sign3A_63 : vector<128x128xi32>
    %sign3A_65 = arith.extui %sign3A_64 : vector<128x128xi1> to vector<128x128xi32>
    %sign3A_66 = arith.constant 0 : i32
    %sign3A_67 = vector.broadcast %sign3A_66 : i32 to vector<128x128xi32>
    %sign3A_68 = arith.cmpi slt, %iota3A_58, %sign3A_67 : vector<128x128xi32>
    %sign3A_69 = arith.extui %sign3A_68 : vector<128x128xi1> to vector<128x128xi32>
    %sign3A_70 = arith.subi %sign3A_65, %sign3A_69 : vector<128x128xi32>
    %sign3A_71 = arith.constant 0 : i32
    %sign3A_72 = arith.cmpi sgt, %jit3A_59, %sign3A_71 : i32
    %sign3A_73 = arith.extui %sign3A_72 : i1 to i32
    %sign3A_74 = arith.constant 0 : i32
    %sign3A_75 = arith.cmpi slt, %jit3A_59, %sign3A_74 : i32
    %sign3A_76 = arith.extui %sign3A_75 : i1 to i32
    %sign3A_77 = arith.subi %sign3A_73, %sign3A_76 : i32
    %ne3A_78 = vector.broadcast %sign3A_77 : i32 to vector<128x128xi32>
    %ne3A_79 = arith.cmpi ne, %sign3A_70, %ne3A_78 : vector<128x128xi32>
    %rem3A_80 = vector.broadcast %jit3A_59 : i32 to vector<128x128xi32>
    %rem3A_81 = arith.remsi %iota3A_58, %rem3A_80 : vector<128x128xi32>
    %ne3A_82 = arith.constant 0 : i32
    %ne3A_83 = vector.broadcast %ne3A_82 : i32 to vector<128x128xi32>
    %ne3A_84 = arith.cmpi ne, %rem3A_81, %ne3A_83 : vector<128x128xi32>
    %and3A_85 = arith.andi %ne3A_79, %ne3A_84 : vector<128x128xi1>
    %sub3A_86 = arith.constant 1 : i32
    %sub3A_87 = vector.broadcast %sub3A_86 : i32 to vector<128x128xi32>
    %sub3A_88 = arith.subi %div3A_61, %sub3A_87 : vector<128x128xi32>
    %select_n3A_89 = arith.select %and3A_85, %sub3A_88, %div3A_61 : vector<128x128xi1>, vector<128x128xi32>
    %eq3A = arith.cmpi eq, %select_n3A, %select_n3A_89 : vector<128x128xi32>
    %jit3A_90 = arith.constant 1.000000e+30 : f32
    %broadcast_in_dim3A_91 = vector.broadcast %jit3A_90 : f32 to vector<128x128xf32>
    %select_n3A_92 = arith.select %eq3A, %sqrt3A, %broadcast_in_dim3A_91 : vector<128x128xi1>, vector<128x128xf32>
    %neg3A = arith.constant 0.000000e+00 : f32
    %neg3A_93 = vector.broadcast %neg3A : f32 to vector<128x128xf32>
    %neg3A_94 = arith.subf %neg3A_93, %select_n3A_92 : vector<128x128xf32>
    %div3A_95 = arith.constant 1.000000e-03 : f32
    %div3A_96 = vector.broadcast %div3A_95 : f32 to vector<128x128xf32>
    %div3A_97 = arith.divf %neg3A_94, %div3A_96 : vector<128x128xf32>
    %reduce_max3A = arith.constant dense<0xFF800000> : vector<128xf32>
    %reduce_max3A_98 = vector.multi_reduction <maximumf>, %div3A_97, %reduce_max3A [1] : vector<128x128xf32> to vector<128xf32>
    %broadcast_in_dim3A_99 = vector.shape_cast %reduce_max3A_98 : vector<128xf32> to vector<128x1xf32>
    %sub3A_100 = vector.broadcast %broadcast_in_dim3A_99 : vector<128x1xf32> to vector<128x128xf32>
    %sub3A_101 = arith.subf %div3A_97, %sub3A_100 : vector<128x128xf32>
    %exp3A = math.exp %sub3A_101 : vector<128x128xf32>
    %reduce_sum3A_102 = arith.constant dense<0.000000e+00> : vector<128xf32>
    %reduce_sum3A_103 = vector.multi_reduction <add>, %exp3A, %reduce_sum3A_102 [1] : vector<128x128xf32> to vector<128xf32>
    %broadcast_in_dim3A_104 = vector.shape_cast %reduce_sum3A_103 : vector<128xf32> to vector<128x1xf32>
    %div3A_105 = vector.broadcast %broadcast_in_dim3A_104 : vector<128x1xf32> to vector<128x128xf32>
    %div3A_106 = arith.divf %exp3A, %div3A_105 : vector<128x128xf32>
    %convert_element_type3A_107 = arith.truncf %div3A_106 : vector<128x128xf32> to vector<128x128xbf16>
    %convert_element_type3A_108 = arith.truncf %get3A_7 : vector<128x96xf32> to vector<128x96xbf16>
    %dot_general3A_109 = arith.constant dense<0.000000e+00> : vector<128x96xf32>
    %dot_general3A_110 = tpu.matmul %convert_element_type3A_107, %convert_element_type3A_108, %dot_general3A_109 {dimension_numbers = #tpu.dot_dimension_numbers<[1], [0], [0], [1], [0, 0, 1, 1], [], []>, transpose_lhs_hint = false} : vector<128x128xbf16>, vector<128x96xbf16>, vector<128x96xf32> -> vector<128x96xf32>
    %swap3A = arith.constant 0 : index
    %swap3A_111 = arith.constant 0 : index
    %swap3A_112 = vector.load %arg4[%swap3A, %swap3A_111] : memref<128x96xf32, #tpu.memory_space<vmem>>, vector<128x96xf32>
    tpu.vector_store %arg4[%swap3A, %swap3A_111], %dot_general3A_110 {strides = array<i32>} : memref<128x96xf32, #tpu.memory_space<vmem>>, vector<128x96xf32>,
    return
  }
  func.func @transform_0(%arg0: i32) -> (i32, i32) {
    %c0_i32 = arith.constant 0 : i32
    %c0_i32_0 = arith.constant 0 : i32
    return %arg0, %c0_i32 : i32, i32
  }
  func.func @transform_1(%arg0: i32) -> (i32, i32) {
    %c0_i32 = arith.constant 0 : i32
    %c0_i32_0 = arith.constant 0 : i32
    return %arg0, %c0_i32 : i32, i32
  }
  func.func @transform_2(%arg0: i32) -> (i32, i32) {
    %c0_i32 = arith.constant 0 : i32
    %c0_i32_0 = arith.constant 0 : i32
    return %arg0, %c0_i32 : i32, i32
  }
  func.func @transform_3(%arg0: i32) -> (i32, i32) {
    %c0_i32 = arith.constant 0 : i32
    %c0_i32_0 = arith.constant 0 : i32
    return %arg0, %c0_i32 : i32, i32
  }
}

</mosaic_0001>

<sc_bundles>
// kernel: kernel.6.cloned.1.call-start
scs
__scs_entry_jumppad:
0x0: {  	(pc) =	sbr.rel $0x88, $3  }
0x1: {  	(tag) =	ssettag $0x0;
	lr =	simm.s32 $0x1  }
0x2: {  	[smem:$0x3F9E] =	sst lr;
	_ =	strace $0xD0000000  }
0x3: {  	_ = 	snop  }
0x4: {  	_ = 	snop  }
0x5: {  	_ = 	snop  }
0x6: {  	_ = 	snop  }
0x7: {  	_ = 	snop  }
__scs_overlays_trampoline_lowered:
0x8: {  	[smem:$0x3FAD] =	sst s0  }
0x9: {  	[smem:$0x3FAE] =	sst s1  }
0xa: {  	[smem:$0x3FAF] =	sst s2  }
0xb: {  	[smem:$0x3FB0] =	sst s3  }
0xc: {  	[smem:$0x3FB1] =	sst s4  }
0xd: {  	[smem:$0x3FB2] =	sst s5  }
0xe: {  	[smem:$0x3FB3] =	sst s6  }
0xf: {  	[smem:$0x3FB4] =	sst s7  }
0x10: {  	[smem:$0x3FB5] =	sst s8  }
0x11: {  	[smem:$0x3FB6] =	sst s9;
	s0 =	simm.s32 @!p0 $0x0  }
0x12: {  	s1 =	sld [smem:$0x3F9C];
	s0 =	simm.s32 @p0 $0x1  }
0x13: {  	[smem:$0x3FB7] =	sst s0;
	s0 =	simm.s32 @!p1 $0x0  }
0x14: {  	s2 =	sld [smem:$0x3F9B];
	s0 =	simm.s32 @p1 $0x1  }
0x15: {  	[smem:$0x3FB8] =	sst s0;
	s0 =	simm.s32 @!p2 $0x0  }
0x16: {  	s3 =	sld [smem:$0x3FDB];
	s0 =	simm.s32 @p2 $0x1  }
0x17: {  	s4 =	simm.s32 $0x1BF5;
	[smem:$0x3FBA] =	sst s0  }
0x18: {  	s0 =	sld [smem:$0x3F9D];
	_ =	swait.ge [sflag:s4], $0x0  }
0x19: {  	s7 =	sld [smem:$0x3F9E]  }
0x1a: {  	s8 =	sadd.s32 $0xFFFFE003, lr  }
0x1b: {  	s9 =	sadd.s32 $0xFFFFFEF7, lr;
	s5 =	simm.s32 $0xFFFFFFFF;
	p2 =	slt.u32 s8, $0xFFFFF086  }
0x1c: {  	p1 =	slt.u32 s9, $0xF7A;
	s5 =	simm.s32 @!p2 $0x0  }
0x1d: {  	s5 =	simm.s32 @p1 $0x1;
	p0 =	seq.s32 s7, s2  }
0x1e: {  	s7 =	smul.u32 @!p0 $0xF7A, s2;
	p2 =	seq.s32 @!p0 s5, $0x0  }
0x1f: {  	s9 =	smul.u32 $0xF7A, s1;
	s8 =	simm.s32 @!p0 $0x1BF5;
	p2 =	por !p2, p0  }
0x20: {  	[sflag:s8] =	ssyncset.s32 @!p0 $0xFFFFF086;
	s6 =	sadd.s32 @!p0 s3, s7;
	s7 =	simm.s32 @!p0 $0x108  }
0x21: {  	s3 =	sadd.s32 s3, s9;
	s6 =	sadd.s32 @!p0 $0x88, s6;
	s7 =	simm.s32 @p2 $0x1082  }
0x22: {  	[simem:s7], [sflag:s8] =	dma.local @!p0 [hbm:s6], $0xF7A  }
0x23: {  	s9 =	sor.u32 $0xD0000000, s2;
	s6 =	simm.s32 $0x108;
	_ =	swait.ge @!p0 [sflag:s8], $0x0  }
0x24: {  	s3 =	sadd.s32 $0x88, s3;
	s6 =	simm.s32 @!p1 $0x1082;
	[sflag:s4] =	ssyncset.s32 $0xFFFFF086  }
0x25: {  	[simem:s6], [sflag:s4] =	dma.local [hbm:s3], $0xF7A  }
0x26: {  	[smem:$0x3F9E] =	sst s1;
	(tag) =	ssettag s2;
	_ =	strace s9  }
0x27: {  	s1 =	sld [smem:$0x3FAE]  }
0x28: {  	s2 =	sld [smem:$0x3FAF]  }
0x29: {  	s4 =	sld [smem:$0x3FB1]  }
0x2a: {  	p0 =	seq.s32 s5, $0x0;
	s5 =	sld [smem:$0x3FB2]  }
0x2b: {  	s6 =	sld [smem:$0x3FB3]  }
0x2c: {  	s7 =	sld [smem:$0x3FB4]  }
0x2d: {  	s3 =	simm.s32 $0x108;
	s8 =	sld [smem:$0x3FB5]  }
0x2e: {  	s3 =	simm.s32 @!p0 $0x1082;
	s9 =	sld [smem:$0x3FB6]  }
0x2f: {  	lr =	sadd.s32 s0, s3;
	s0 =	sld [smem:$0x3FAD]  }
0x30: {  	s3 =	sld [smem:$0x3FB0]  }
0x31: {  	[smem:$0x3FB9] =	sst s10  }
0x32: {  	s10 =	sld [smem:$0x3FB7];
	_ =	sdelay $0x3  }
0x33: {  	p0 =	seq.s32 s10, $0x1;
	s10 =	sld [smem:$0x3FB9];
	_ =	sdelay $0x3  }
0x34: {  	[smem:$0x3FB9] =	sst s10  }
0x35: {  	s10 =	sld [smem:$0x3FB8];
	_ =	sdelay $0x3  }
0x36: {  	p1 =	seq.s32 s10, $0x1;
	s10 =	sld [smem:$0x3FB9];
	_ =	sdelay $0x3  }
0x37: {  	[smem:$0x3FB9] =	sst s10  }
0x38: {  	s10 =	sld [smem:$0x3FBA]  }
0x39: {  	_ = 	snop;
	(pc) =	sbr.ind lr, $3  }
0x3a: {  	_ = 	snop  }
0x3b: {  	_ = 	snop  }
0x3c: {  	p2 =	seq.s32 s10, $0x1;
	s10 =	sld [smem:$0x3FB9]  }
0x3d: {  	_ =	shalt  }
0x3e: {  	_ =	shalt  }
0x3f: {  	_ =	shalt  }
0x40: {  	_ =	shalt  }
0x41: {  	_ =	shalt  }
0x42: {  	_ =	shalt  }
0x43: {  	_ =	shalt  }
0x44: {  	_ =	shalt  }
0x45: {  	_ =	shalt  }
0x46: {  	_ =	shalt  }
0x47: {  	_ =	shalt  }
0x48: {  	_ =	shalt  }
0x49: {  	_ =	shalt  }
0x4a: {  	_ =	shalt  }
0x4b: {  	_ =	shalt  }
0x4c: {  	_ =	shalt  }
0x4d: {  	_ =	shalt  }
0x4e: {  	_ =	shalt  }
0x4f: {  	_ =	shalt  }
0x50: {  	_ =	shalt  }
0x51: {  	_ =	shalt  }
0x52: {  	_ =	shalt  }
0x53: {  	_ =	shalt  }
0x54: {  	_ =	shalt  }
0x55: {  	_ =	shalt  }
0x56: {  	_ =	shalt  }
0x57: {  	_ =	shalt  }
0x58: {  	_ =	shalt  }
0x59: {  	_ =	shalt  }
0x5a: {  	_ =	shalt  }
0x5b: {  	_ =	shalt  }
0x5c: {  	_ =	shalt  }
0x5d: {  	_ =	shalt  }
0x5e: {  	_ =	shalt  }
0x5f: {  	_ =	shalt  }
0x60: {  	_ =	shalt  }
0x61: {  	_ =	shalt  }
0x62: {  	_ =	shalt  }
0x63: {  	_ =	shalt  }
0x64: {  	_ =	shalt  }
0x65: {  	_ =	shalt  }
0x66: {  	_ =	shalt  }
0x67: {  	_ =	shalt  }
0x68: {  	_ =	shalt  }
0x69: {  	_ =	shalt  }
0x6a: {  	_ =	shalt  }
0x6b: {  	_ =	shalt  }
0x6c: {  	_ =	shalt  }
0x6d: {  	_ =	shalt  }
0x6e: {  	_ =	shalt  }
0x6f: {  	_ =	shalt  }
0x70: {  	_ =	shalt  }
0x71: {  	_ =	shalt  }
0x72: {  	_ =	shalt  }
0x73: {  	_ =	shalt  }
0x74: {  	_ =	shalt  }
0x75: {  	_ =	shalt  }
0x76: {  	_ =	shalt  }
0x77: {  	_ =	shalt  }
0x78: {  	_ =	shalt  }
0x79: {  	_ =	shalt  }
0x7a: {  	_ =	shalt  }
0x7b: {  	_ =	shalt  }
0x7c: {  	_ =	shalt  }
0x7d: {  	_ =	shalt  }
0x7e: {  	_ =	shalt  }
0x7f: {  	_ =	shalt  }
0x80: {  	_ =	shalt  }
0x81: {  	_ =	shalt  }
0x82: {  	_ =	shalt  }
0x83: {  	_ =	shalt  }
0x84: {  	_ =	shalt  }
0x85: {  	_ =	shalt  }
0x86: {  	_ =	shalt  }
0x87: {  	_ =	shalt  }
.Lfunc_end0:
.L_simem_size_0:
called_computation_lowered:
.L_overlay_start_0:
0x88: {  	s2 =	sld [smem:$0x3FD9]  }
0x89: {  	s3 =	sld [smem:$0x3FFE];
	_ =	sdelay $0x1  }
0x8a: {  	s1 =	srdreg.scid  }
0x8b: {  	s0 =	sand.u32 $0x1, s1  }
0x8c: {  	s17 =	sshll.u32 s0, $0xA;
	s2 =	sadd.s32 s3, s2  }
0x8d: {  	s2 =	sadd.s32 s2, s17  }
0x8e: {  	[smem:$0x3FC5] =	sst s2  }
0x8f: {  	_ = 	snop  }
0x90: {  	s2 =	sld [smem:$0x3FD0];
	(tm) =	ssettm $0x1  }
0x91: {  	s18 =	sld [smem:$0x3FFB];
	_ =	sdelay $0x3  }
0x92: {  	_ =	strace s18  }
0x93: {  	s3 =	sld [smem:$0x3FFC];
	_ =	sdelay $0x3  }
0x94: {  	_ =	strace s3  }
0x95: {  	s3 =	sld [smem:$0x3FFD];
	_ =	sdelay $0x3  }
0x96: {  	_ =	strace s3  }
0x97: {  	_ =	strace $0x8FFFFFFF  }
0x98: {  	s19 =	sld [smem:$0x3FDB];
	_ =	sdelay $0x1  }
0x99: {  	s4 =	simm.s32 $_scs_section_size  }
0x9a: {  	s5 =	simm.s32 $_size__tile_overlayer_lowered;
	s6 =	simm.s32 $_tile_overlayer_lowered  }
0x9b: {  	s22 =	simm.s32 $0x1BFF;
	s21 =	sshll.u32 s6, $0x1;
	s3 =	sadd.s32 s4, s19  }
0x9c: {  	s7 =	simm.s32 $0x0;
	s20 =	sshll.u32 s5, $0x1;
	s5 =	sadd.s32 s21, s3  }
0x9d: {  	[timem:s7], [sflag:s22] =	dma.local [hbm:s5], s20  }
0x9e: {  	_ =	swait.ge [sflag:s22], s20  }
0x9f: {  	s4 =	ssub.s32 $0x0, s20;
	[sflag:s22] =	ssyncset.done $0x0  }
0xa0: {  	[sflag:s22] =	ssyncadd.s32 s4;
	_ =	sdelay $0x1  }
0xa1: {  	s23 =	simm.s32 $0x1B8B  }
0xa2: {  	_ =	swait.ge [sflag:s23], $0x1  }
0xa3: {  	[sflag:s23] =	ssyncset.done $0x0  }
0xa4: {  	s25 =	simm.s32 $0x1B8E;
	s24 =	sld [smem:$0x3FFE];
	[sflag:s23] =	ssyncadd.s32 $0xFFFFFFFF  }
0xa5: {  	s26 =	simm.s32 $execute0_lowered;
	[smem:$0x3FD2] =	sst s25  }
0xa6: {  	s5 =	sshll.u32 s26, $0x1;
	_ =	strace $0x80000046;
	[dreg:$0x1] =	wrdreg $0xFFFFFFFF  }
0xa7: {  	s28 =	simm.s32 $_size_execute0_lowered;
	s3 =	sadd.s32 s3, s5;
	[dreg:$0x0] =	wrdreg $0x0  }
0xa8: {  	s5 =	sshll.u32 s28, $0x1;
	[dreg:$0x2] =	wrdreg s3  }
0xa9: {  	[dreg:$0x3] =	wrdreg s5  }
0xaa: {  	[dreg:$0x4] =	wrdreg $0xC0  }
0xab: {  	_ =	task [dreg:s7], $0x5FFFF  }
0xac: {  	[dreg:$0x1] =	wrdreg $0xFFFFFFFF  }
0xad: {  	[dreg:$0x0] =	wrdreg $0x60  }
0xae: {  	[dreg:$0x2] =	wrdreg s24  }
0xaf: {  	[dreg:$0x3] =	wrdreg s2  }
0xb0: {  	[dreg:$0x4] =	wrdreg $0x9  }
0xb1: {  	_ =	task.clear_ibuf [dreg:s7], $0x5FFFF;
	_ =	strace $0x90000046  }
0xb2: {  	s29 =	simm.s32 $0x9;
	_ =	strace $0x80000048  }
0xb3: {  	_ =	swait.ge [sflag:s29], $0x1  }
0xb4: {  	[sflag:s29] =	ssyncadd.s32 $0xFFFFFFFF  }
0xb5: {  	_ =	strace $0x90000048  }
0xb6: {  	_ =	sfence  }
0xb7: {  	s30 =	sld [smem:$0x0];
	_ =	sdelay $0x2  }
0xb8: {  	s31 =	sshll.u32 s1, $0xD;
	s1 =	sshrl.u32 s1, $0x2  }
0xb9: {  	s3 =	sand.u32 $0x4000, s31;
	s1 =	sadd.s32 s1, s30  }
0xba: {  	s0 =	sor.u32 s3, s0;
	s1 =	sshll.u32 s1, $0x11  }
0xbb: {  	s0 =	sor.u32 s1, s0  }
0xbc: {  	s0 =	sadd.s32 $0x8F2B, s0  }
0xbd: {  	[sflag:s0] =	ssyncadd.remote.s32 $0x1  }
0xbe: {  	_ =	sfence.sel $0xFFFF  }
0xbf: {  	[dreg:$0x0] =	wrdreg $0xFFFFFFFF;
	(pc) =	sbr.abs _section_cstart, $3  }
0xc0: {  	[dreg:$0x1] =	wrdreg $0xFFFFFFFF  }
0xc1: {  	_ =	task.clear_ibuf [dreg:s7], $0x2FFFF;
	_ =	strace $0x9FFFFFFF  }
0xc2: {  	(tm) =	ssettm $0x7FFFFFFF  }
0xc3: {  	_ =	shalt  }
tec
execute0_lowered:
.L_overlay_start_1:
0x0: {  	(tag) =	ssettag $0x1  }
0x1: {  	s1 =	srdreg.scid;
	s2 =	stileid.u32  }
0x2: {  	s0 =	rddreg [dreg:$0x0];
	s1 =	sand.u32 $0x1, s1;
	s3 =	sshll.u32 s2, $0x1  }
0x3: {  	s6 =	rddreg [dreg:$0x1];
	s3 =	sor.u32 s1, s3  }
0x4: {  	s30 =	simm.s32 $0x1;
	s31 =	simm.s32 $0x6080;
	s5 =	smul.u32 $0x70, s3  }
0x5: {  	s28 =	simm.s32 $0x3;
	s29 =	simm.s32 $0x4;
	s2 =	simm.s32 $0x0  }
0x6: {  	s4 =	sadd.s32 $0x93C00, s0;
	s13 =	sadd.s32 $0x126C00, s0;
	s5 =	sshrl.u32 s5, $0x3  }
0x7: {  	[smem:$0x7FF] =	sst s2;
	s1 =	ssub.s32 $0x2, s1;
	s7 =	sadd.s32 s5, s0  }
0x8: {  	_ =	strace $0x80000047;
	s9 =	smul.u32 $0x600, s5;
	s17 =	sadd.s32 $0xA00, s7  }
0x9: {  	s3 =	sadd.s32 $0xC00, s0;
	s8 =	sshrl.u32 s1, $0x1;
	[dreg:$0x3] =	wrdreg s17  }
0xa: {  	s18 =	sadd.s32 s6, s9;
	s19 =	sadd.s32 $0xC00, s9;
	s10 =	sadd.s32 $0x1800, s9  }
0xb: {  	s11 =	sadd.s32 $0x2400, s9;
	s12 =	sadd.s32 $0x3000, s9;
	s14 =	sadd.s32 $0x3C00, s9  }
0xc: {  	s15 =	sadd.s32 $0x4800, s9;
	s9 =	sadd.s32 s13, s9;
	[dreg:$0x4] =	wrdreg s18  }
0xd: {  	s1 =	ssub.s32 s1, s8;
	s20 =	sadd.s32 s6, s19;
	[dreg:$0xb] =	wrdreg s9  }
0xe: {  	s8 =	sadd.s32 $0x1000, s0;
	s21 =	sadd.s32 s6, s10;
	[dreg:$0x5] =	wrdreg s20  }
0xf: {  	s5 =	sadd.s32 $0xD00, s0;
	s22 =	sadd.s32 s6, s11;
	[dreg:$0x6] =	wrdreg s21  }
0x10: {  	s7 =	sadd.s32 $0xF00, s0;
	s23 =	sadd.s32 s6, s12;
	[dreg:$0x7] =	wrdreg s22  }
0x11: {  	s17 =	simm.s32 $0x80;
	s24 =	sadd.s32 s6, s14;
	[dreg:$0x8] =	wrdreg s23  }
0x12: {  	s25 =	sadd.s32 s6, s15;
	s6 =	sadd.s32 $0xE00, s0;
	[dreg:$0x9] =	wrdreg s24  }
0x13: {  	s26 =	sadd.s32 s13, s19;
	s10 =	sadd.s32 s13, s10;
	[dreg:$0xa] =	wrdreg s25  }
0x14: {  	s9 =	sadd.s32 $0x1100, s0;
	s11 =	sadd.s32 s13, s11;
	[dreg:$0xc] =	wrdreg s26  }
0x15: {  	s12 =	sadd.s32 s13, s12;
	s14 =	sadd.s32 s13, s14;
	[dreg:$0xd] =	wrdreg s10  }
0x16: {  	s15 =	sadd.s32 s13, s15;
	s13 =	sadd.s32 $0x94000, s0;
	[dreg:$0xe] =	wrdreg s11  }
0x17: {  	v2 =	vlaneseq.u32;
	s18 =	smax.u32 s1, $0x1;
	s10 =	sadd.s32 $0x93D00, s0;
	[dreg:$0xf] =	wrdreg s12  }
0x18: {  	vm0 =	vmmov $0xffff;
	v1 =	vshrl.u32 v2, $0x3;
	s11 =	sadd.s32 $0x93E00, s0;
	s12 =	sadd.s32 $0x93F00, s0;
	[dreg:$0x10] =	wrdreg s14  }
0x19: {  	v0 =	vand.u32 $0x7, v2;
	v2 =	vor.u32 $0x8, v2;
	v1 =	vmul.u32 $0x8, v1;
	s14 =	sadd.s32 $0x94100, s0;
	[dreg:$0x11] =	wrdreg s15;
	s26 =	simm.s32 $0x2  }
.LBB2_1:
0x1a: {  	s1 =	rddreg [dreg:$0x3];
	s15 =	simm.s32 $0x5  }
0x1b: {  	[tilespmem:s2], [sflag:$0x5] =	stream.linear.gather [hbm4b:s1+s2], $0x70, $0x38;
	[tilespmem:$0xC080] =	vst v63  }
0x1c: {  	_ =	swait.ge [sflag:s15], $0x70  }
0x1d: {  	[sflag:s15] =	ssyncset.done $0x0  }
0x1e: {  	[sflag:s15] =	ssyncadd.s32 $0xFFFFFF90  }
0x1f: {  	v3 =	vld [tilespmem:$0x0];
	_ =	sdelay $0x4  }
0x20: {  	v4 =	vshrl.u32 v3, $0x3  }
0x21: {  	v4 =	vmul.u32 $0x60, v4  }
0x22: {  	v3 =	vand.u32 $0x7, v3  }
0x23: {  	v3 =	vor.u32 v3, v4  }
0x24: {  	v4 =	vperm.xlane v3, v0;
	_ =	sdelay $0x1  }
0x25: {  	v4 =	vadd.s32 v1, v4;
	_ =	sdelay $0x4  }
0x26: {  	[tilespmem:s17], [sflag:$0x1] =	stream.indirect_vreg.gather [hbm4b:s3+s2], $0x80, v4, vm0, $0xb8;
	[tilespmem:$0xC080] =	vst v63  }
0x27: {  	s0 =	simm.s32 $0x880  }
0x28: {  	[tilespmem:s0], [sflag:$0x1] =	stream.indirect_vreg.gather [hbm4b:s5+s2], $0x80, v4, vm0, $0xb8;
	[tilespmem:$0xC080] =	vst v63  }
0x29: {  	s16 =	simm.s32 $0x1080  }
0x2a: {  	[tilespmem:s16], [sflag:$0x1] =	stream.indirect_vreg.gather [hbm4b:s6+s2], $0x80, v4, vm0, $0xb8;
	[tilespmem:$0xC080] =	vst v63  }
0x2b: {  	s19 =	simm.s32 $0x1880;
	v3 =	vperm.xlane v3, v2  }
0x2c: {  	[tilespmem:s19], [sflag:$0x1] =	stream.indirect_vreg.gather [hbm4b:s7+s2], $0x80, v4, vm0, $0xb8;
	[tilespmem:$0xC080] =	vst v63  }
0x2d: {  	s20 =	simm.s32 $0x2080;
	v3 =	vadd.s32 v1, v3  }
0x2e: {  	[tilespmem:s20], [sflag:$0x1] =	stream.indirect_vreg.gather [hbm4b:s8+s2], $0x80, v4, vm0, $0xb8;
	[tilespmem:$0xC080] =	vst v63  }
0x2f: {  	s21 =	simm.s32 $0x2880  }
0x30: {  	[tilespmem:s21], [sflag:$0x1] =	stream.indirect_vreg.gather [hbm4b:s9+s2], $0x80, v4, vm0, $0xb8;
	[tilespmem:$0xC080] =	vst v63  }
0x31: {  	s22 =	simm.s32 $0x3080  }
0x32: {  	[tilespmem:s22], [sflag:$0x1] =	stream.indirect_vreg.gather [hbm4b:s3+s2], $0x80, v3, vm0, $0xb8;
	[tilespmem:$0xC080] =	vst v63  }
0x33: {  	s23 =	simm.s32 $0x3880  }
0x34: {  	[tilespmem:s23], [sflag:$0x1] =	stream.indirect_vreg.gather [hbm4b:s5+s2], $0x80, v3, vm0, $0xb8;
	[tilespmem:$0xC080] =	vst v63  }
0x35: {  	s24 =	simm.s32 $0x4080  }
0x36: {  	[tilespmem:s24], [sflag:$0x1] =	stream.indirect_vreg.gather [hbm4b:s6+s2], $0x80, v3, vm0, $0xb8;
	[tilespmem:$0xC080] =	vst v63  }
0x37: {  	s25 =	simm.s32 $0x4880  }
0x38: {  	[tilespmem:s25], [sflag:$0x1] =	stream.indirect_vreg.gather [hbm4b:s7+s2], $0x80, v3, vm0, $0xb8;
	[tilespmem:$0xC080] =	vst v63  }
0x39: {  	s1 =	simm.s32 $0x5080  }
0x3a: {  	[tilespmem:s1], [sflag:$0x1] =	stream.indirect_vreg.gather [hbm4b:s8+s2], $0x80, v3, vm0, $0xb8;
	[tilespmem:$0xC080] =	vst v63  }
0x3b: {  	s19 =	simm.s32 $0x5880  }
0x3c: {  	[tilespmem:s19], [sflag:$0x1] =	stream.indirect_vreg.gather [hbm4b:s9+s2], $0x80, v3, vm0, $0xb8;
	[tilespmem:$0xC080] =	vst v63  }
0x3d: {  	_ =	swait.ge [sflag:s30], $0x6000  }
0x3e: {  	[sflag:s30] =	ssyncset.done $0x0  }
0x3f: {  	s20 =	rddreg [dreg:$0x4];
	[sflag:s30] =	ssyncadd.s32 $0xFFFFA000  }
0x40: {  	[hbm4b:s20+s2] =	stream.linear.scatter [tilespmem:s17], [sflag:$0x3], $0x6000, $0x38;
	[tilespmem:$0xC080] =	vst v63  }
0x41: {  	v3 =	vld [tilespmem:$0x10];
	_ =	sdelay $0x4  }
0x42: {  	v51 =	vshrl.u32 v3, $0x3  }
0x43: {  	v4 =	vmul.u32 $0x60, v51  }
0x44: {  	v3 =	vand.u32 $0x7, v3  }
0x45: {  	v3 =	vor.u32 v3, v4  }
0x46: {  	v4 =	vperm.xlane v3, v0;
	_ =	sdelay $0x1  }
0x47: {  	v4 =	vadd.s32 v1, v4;
	_ =	sdelay $0x4  }
0x48: {  	[tilespmem:s31], [sflag:$0x2] =	stream.indirect_vreg.gather [hbm4b:s3+s2], $0x80, v4, vm0, $0xb8;
	[tilespmem:$0xC080] =	vst v63  }
0x49: {  	s21 =	simm.s32 $0x6880  }
0x4a: {  	[tilespmem:s21], [sflag:$0x2] =	stream.indirect_vreg.gather [hbm4b:s5+s2], $0x80, v4, vm0, $0xb8;
	[tilespmem:$0xC080] =	vst v63  }
0x4b: {  	s22 =	simm.s32 $0x7080  }
0x4c: {  	[tilespmem:s22], [sflag:$0x2] =	stream.indirect_vreg.gather [hbm4b:s6+s2], $0x80, v4, vm0, $0xb8;
	[tilespmem:$0xC080] =	vst v63  }
0x4d: {  	s23 =	simm.s32 $0x7880;
	v3 =	vperm.xlane v3, v2  }
0x4e: {  	[tilespmem:s23], [sflag:$0x2] =	stream.indirect_vreg.gather [hbm4b:s7+s2], $0x80, v4, vm0, $0xb8;
	[tilespmem:$0xC080] =	vst v63  }
0x4f: {  	s24 =	simm.s32 $0x8080;
	v3 =	vadd.s32 v1, v3  }
0x50: {  	[tilespmem:s24], [sflag:$0x2] =	stream.indirect_vreg.gather [hbm4b:s8+s2], $0x80, v4, vm0, $0xb8;
	[tilespmem:$0xC080] =	vst v63  }
0x51: {  	s25 =	simm.s32 $0x8880  }
0x52: {  	[tilespmem:s25], [sflag:$0x2] =	stream.indirect_vreg.gather [hbm4b:s9+s2], $0x80, v4, vm0, $0xb8;
	[tilespmem:$0xC080] =	vst v63  }
0x53: {  	s0 =	simm.s32 $0x9080  }
0x54: {  	[tilespmem:s0], [sflag:$0x2] =	stream.indirect_vreg.gather [hbm4b:s3+s2], $0x80, v3, vm0, $0xb8;
	[tilespmem:$0xC080] =	vst v63  }
0x55: {  	s20 =	simm.s32 $0x9880  }
0x56: {  	[tilespmem:s20], [sflag:$0x2] =	stream.indirect_vreg.gather [hbm4b:s5+s2], $0x80, v3, vm0, $0xb8;
	[tilespmem:$0xC080] =	vst v63  }
0x57: {  	s22 =	simm.s32 $0xA080  }
0x58: {  	[tilespmem:s22], [sflag:$0x2] =	stream.indirect_vreg.gather [hbm4b:s6+s2], $0x80, v3, vm0, $0xb8;
	[tilespmem:$0xC080] =	vst v63  }
0x59: {  	s23 =	simm.s32 $0xA880  }
0x5a: {  	[tilespmem:s23], [sflag:$0x2] =	stream.indirect_vreg.gather [hbm4b:s7+s2], $0x80, v3, vm0, $0xb8;
	[tilespmem:$0xC080] =	vst v63  }
0x5b: {  	s24 =	simm.s32 $0xB080  }
0x5c: {  	[tilespmem:s24], [sflag:$0x2] =	stream.indirect_vreg.gather [hbm4b:s8+s2], $0x80, v3, vm0, $0xb8;
	[tilespmem:$0xC080] =	vst v63  }
0x5d: {  	s25 =	simm.s32 $0xB880  }
0x5e: {  	[tilespmem:s25], [sflag:$0x2] =	stream.indirect_vreg.gather [hbm4b:s9+s2], $0x80, v3, vm0, $0xb8;
	[tilespmem:$0xC080] =	vst v63  }
0x5f: {  	_ =	swait.ge [sflag:s26], $0x6000  }
0x60: {  	[sflag:s26] =	ssyncset.done $0x0  }
0x61: {  	s0 =	rddreg [dreg:$0x5];
	[sflag:s26] =	ssyncadd.s32 $0xFFFFA000  }
0x62: {  	[hbm4b:s0+s2] =	stream.linear.scatter [tilespmem:s31], [sflag:$0x4], $0x6000, $0x38;
	[tilespmem:$0xC080] =	vst v63  }
0x63: {  	_ =	swait.ge [sflag:s28], $0x6000  }
0x64: {  	[sflag:s28] =	ssyncset.done $0x0  }
0x65: {  	[sflag:s28] =	ssyncadd.s32 $0xFFFFA000  }
0x66: {  	v3 =	vld [tilespmem:$0x20];
	_ =	sdelay $0x4  }
0x67: {  	v52 =	vshrl.u32 v3, $0x3  }
0x68: {  	v4 =	vmul.u32 $0x60, v52  }
0x69: {  	v3 =	vand.u32 $0x7, v3  }
0x6a: {  	v3 =	vor.u32 v3, v4  }
0x6b: {  	v4 =	vperm.xlane v3, v0;
	_ =	sdelay $0x1  }
0x6c: {  	v4 =	vadd.s32 v1, v4;
	_ =	sdelay $0x4  }
0x6d: {  	[tilespmem:s17], [sflag:$0x1] =	stream.indirect_vreg.gather [hbm4b:s3+s2], $0x80, v4, vm0, $0xb8;
	[tilespmem:$0xC080] =	vst v63  }
0x6e: {  	s0 =	simm.s32 $0x880  }
0x6f: {  	[tilespmem:s0], [sflag:$0x1] =	stream.indirect_vreg.gather [hbm4b:s5+s2], $0x80, v4, vm0, $0xb8;
	[tilespmem:$0xC080] =	vst v63  }
0x70: {  	s15 =	simm.s32 $0x1080  }
0x71: {  	[tilespmem:s15], [sflag:$0x1] =	stream.indirect_vreg.gather [hbm4b:s6+s2], $0x80, v4, vm0, $0xb8;
	[tilespmem:$0xC080] =	vst v63  }
0x72: {  	s16 =	simm.s32 $0x1880;
	v3 =	vperm.xlane v3, v2  }
0x73: {  	[tilespmem:s16], [sflag:$0x1] =	stream.indirect_vreg.gather [hbm4b:s7+s2], $0x80, v4, vm0, $0xb8;
	[tilespmem:$0xC080] =	vst v63  }
0x74: {  	v3 =	vadd.s32 v1, v3;
	s15 =	simm.s32 $0x2080  }
0x75: {  	[tilespmem:s15], [sflag:$0x1] =	stream.indirect_vreg.gather [hbm4b:s8+s2], $0x80, v4, vm0, $0xb8;
	[tilespmem:$0xC080] =	vst v63  }
0x76: {  	s16 =	simm.s32 $0x2880  }
0x77: {  	[tilespmem:s16], [sflag:$0x1] =	stream.indirect_vreg.gather [hbm4b:s9+s2], $0x80, v4, vm0, $0xb8;
	[tilespmem:$0xC080] =	vst v63  }
0x78: {  	s20 =	simm.s32 $0x3080  }
0x79: {  	[tilespmem:s20], [sflag:$0x1] =	stream.indirect_vreg.gather [hbm4b:s3+s2], $0x80, v3, vm0, $0xb8;
	[tilespmem:$0xC080] =	vst v63  }
0x7a: {  	s22 =	simm.s32 $0x3880  }
0x7b: {  	[tilespmem:s22], [sflag:$0x1] =	stream.indirect_vreg.gather [hbm4b:s5+s2], $0x80, v3, vm0, $0xb8;
	[tilespmem:$0xC080] =	vst v63  }
0x7c: {  	s23 =	simm.s32 $0x4080  }
0x7d: {  	[tilespmem:s23], [sflag:$0x1] =	stream.indirect_vreg.gather [hbm4b:s6+s2], $0x80, v3, vm0, $0xb8;
	[tilespmem:$0xC080] =	vst v63  }
0x7e: {  	s24 =	simm.s32 $0x4880  }
0x7f: {  	[tilespmem:s24], [sflag:$0x1] =	stream.indirect_vreg.gather [hbm4b:s7+s2], $0x80, v3, vm0, $0xb8;
	[tilespmem:$0xC080] =	vst v63  }
0x80: {  	s25 =	simm.s32 $0x5080  }
0x81: {  	[tilespmem:s25], [sflag:$0x1] =	stream.indirect_vreg.gather [hbm4b:s8+s2], $0x80, v3, vm0, $0xb8;
	[tilespmem:$0xC080] =	vst v63  }
0x82: {  	s19 =	simm.s32 $0x5880  }
0x83: {  	[tilespmem:s19], [sflag:$0x1] =	stream.indirect_vreg.gather [hbm4b:s9+s2], $0x80, v3, vm0, $0xb8;
	[tilespmem:$0xC080] =	vst v63  }
0x84: {  	_ =	swait.ge [sflag:s30], $0x6000  }
0x85: {  	[sflag:s30] =	ssyncset.done $0x0  }
0x86: {  	s19 =	rddreg [dreg:$0x6];
	[sflag:s30] =	ssyncadd.s32 $0xFFFFA000  }
0x87: {  	[hbm4b:s19+s2] =	stream.linear.scatter [tilespmem:s17], [sflag:$0x3], $0x6000, $0x38;
	[tilespmem:$0xC080] =	vst v63  }
0x88: {  	_ =	swait.ge [sflag:s29], $0x6000  }
0x89: {  	[sflag:s29] =	ssyncset.done $0x0  }
0x8a: {  	[sflag:s29] =	ssyncadd.s32 $0xFFFFA000  }
0x8b: {  	v3 =	vld [tilespmem:$0x30];
	_ =	sdelay $0x4  }
0x8c: {  	v53 =	vshrl.u32 v3, $0x3  }
0x8d: {  	v4 =	vmul.u32 $0x60, v53  }
0x8e: {  	v3 =	vand.u32 $0x7, v3  }
0x8f: {  	v3 =	vor.u32 v3, v4  }
0x90: {  	v4 =	vperm.xlane v3, v0;
	_ =	sdelay $0x1  }
0x91: {  	v4 =	vadd.s32 v1, v4;
	_ =	sdelay $0x4  }
0x92: {  	[tilespmem:s31], [sflag:$0x2] =	stream.indirect_vreg.gather [hbm4b:s3+s2], $0x80, v4, vm0, $0xb8;
	[tilespmem:$0xC080] =	vst v63  }
0x93: {  	s19 =	simm.s32 $0x6880  }
0x94: {  	[tilespmem:s19], [sflag:$0x2] =	stream.indirect_vreg.gather [hbm4b:s5+s2], $0x80, v4, vm0, $0xb8;
	[tilespmem:$0xC080] =	vst v63  }
0x95: {  	s1 =	simm.s32 $0x7080  }
0x96: {  	[tilespmem:s1], [sflag:$0x2] =	stream.indirect_vreg.gather [hbm4b:s6+s2], $0x80, v4, vm0, $0xb8;
	[tilespmem:$0xC080] =	vst v63  }
0x97: {  	s21 =	simm.s32 $0x7880;
	v3 =	vperm.xlane v3, v2  }
0x98: {  	[tilespmem:s21], [sflag:$0x2] =	stream.indirect_vreg.gather [hbm4b:s7+s2], $0x80, v4, vm0, $0xb8;
	[tilespmem:$0xC080] =	vst v63  }
0x99: {  	v3 =	vadd.s32 v1, v3;
	s21 =	simm.s32 $0x8080  }
0x9a: {  	[tilespmem:s21], [sflag:$0x2] =	stream.indirect_vreg.gather [hbm4b:s8+s2], $0x80, v4, vm0, $0xb8;
	[tilespmem:$0xC080] =	vst v63  }
0x9b: {  	s1 =	simm.s32 $0x8880  }
0x9c: {  	[tilespmem:s1], [sflag:$0x2] =	stream.indirect_vreg.gather [hbm4b:s9+s2], $0x80, v4, vm0, $0xb8;
	[tilespmem:$0xC080] =	vst v63  }
0x9d: {  	s1 =	simm.s32 $0x9080  }
0x9e: {  	[tilespmem:s1], [sflag:$0x2] =	stream.indirect_vreg.gather [hbm4b:s3+s2], $0x80, v3, vm0, $0xb8;
	[tilespmem:$0xC080] =	vst v63  }
0x9f: {  	s1 =	simm.s32 $0x9880  }
0xa0: {  	[tilespmem:s1], [sflag:$0x2] =	stream.indirect_vreg.gather [hbm4b:s5+s2], $0x80, v3, vm0, $0xb8;
	[tilespmem:$0xC080] =	vst v63  }
0xa1: {  	s1 =	simm.s32 $0xA080  }
0xa2: {  	[tilespmem:s1], [sflag:$0x2] =	stream.indirect_vreg.gather [hbm4b:s6+s2], $0x80, v3, vm0, $0xb8;
	[tilespmem:$0xC080] =	vst v63  }
0xa3: {  	s1 =	simm.s32 $0xA880  }
0xa4: {  	[tilespmem:s1], [sflag:$0x2] =	stream.indirect_vreg.gather [hbm4b:s7+s2], $0x80, v3, vm0, $0xb8;
	[tilespmem:$0xC080] =	vst v63  }
0xa5: {  	s1 =	simm.s32 $0xB080  }
0xa6: {  	[tilespmem:s1], [sflag:$0x2] =	stream.indirect_vreg.gather [hbm4b:s8+s2], $0x80, v3, vm0, $0xb8;
	[tilespmem:$0xC080] =	vst v63  }
0xa7: {  	s1 =	simm.s32 $0xB880  }
0xa8: {  	[tilespmem:s1], [sflag:$0x2] =	stream.indirect_vreg.gather [hbm4b:s9+s2], $0x80, v3, vm0, $0xb8;
	[tilespmem:$0xC080] =	vst v63  }
0xa9: {  	_ =	swait.ge [sflag:s26], $0x6000  }
0xaa: {  	[sflag:s26] =	ssyncset.done $0x0  }
0xab: {  	s1 =	rddreg [dreg:$0x7];
	[sflag:s26] =	ssyncadd.s32 $0xFFFFA000  }
0xac: {  	[hbm4b:s1+s2] =	stream.linear.scatter [tilespmem:s31], [sflag:$0x4], $0x6000, $0x38;
	[tilespmem:$0xC080] =	vst v63  }
0xad: {  	_ =	swait.ge [sflag:s28], $0x6000  }
0xae: {  	[sflag:s28] =	ssyncset.done $0x0  }
0xaf: {  	[sflag:s28] =	ssyncadd.s32 $0xFFFFA000  }
0xb0: {  	v3 =	vld [tilespmem:$0x40];
	_ =	sdelay $0x4  }
0xb1: {  	v54 =	vshrl.u32 v3, $0x3  }
0xb2: {  	v4 =	vmul.u32 $0x60, v54  }
0xb3: {  	v3 =	vand.u32 $0x7, v3  }
0xb4: {  	v3 =	vor.u32 v3, v4  }
0xb5: {  	v4 =	vperm.xlane v3, v0;
	_ =	sdelay $0x1  }
0xb6: {  	v4 =	vadd.s32 v1, v4;
	_ =	sdelay $0x4  }
0xb7: {  	[tilespmem:s17], [sflag:$0x1] =	stream.indirect_vreg.gather [hbm4b:s3+s2], $0x80, v4, vm0, $0xb8;
	[tilespmem:$0xC080] =	vst v63  }
0xb8: {  	_ = 	snop  }
0xb9: {  	[tilespmem:s0], [sflag:$0x1] =	stream.indirect_vreg.gather [hbm4b:s5+s2], $0x80, v4, vm0, $0xb8;
	[tilespmem:$0xC080] =	vst v63  }
0xba: {  	s1 =	simm.s32 $0x1080  }
0xbb: {  	[tilespmem:s1], [sflag:$0x1] =	stream.indirect_vreg.gather [hbm4b:s6+s2], $0x80, v4, vm0, $0xb8;
	[tilespmem:$0xC080] =	vst v63  }
0xbc: {  	v3 =	vperm.xlane v3, v2;
	s1 =	simm.s32 $0x1880  }
0xbd: {  	[tilespmem:s1], [sflag:$0x1] =	stream.indirect_vreg.gather [hbm4b:s7+s2], $0x80, v4, vm0, $0xb8;
	[tilespmem:$0xC080] =	vst v63  }
0xbe: {  	v3 =	vadd.s32 v1, v3  }
0xbf: {  	[tilespmem:s15], [sflag:$0x1] =	stream.indirect_vreg.gather [hbm4b:s8+s2], $0x80, v4, vm0, $0xb8;
	[tilespmem:$0xC080] =	vst v63  }
0xc0: {  	_ = 	snop  }
0xc1: {  	[tilespmem:s16], [sflag:$0x1] =	stream.indirect_vreg.gather [hbm4b:s9+s2], $0x80, v4, vm0, $0xb8;
	[tilespmem:$0xC080] =	vst v63  }
0xc2: {  	_ = 	snop  }
0xc3: {  	[tilespmem:s20], [sflag:$0x1] =	stream.indirect_vreg.gather [hbm4b:s3+s2], $0x80, v3, vm0, $0xb8;
	[tilespmem:$0xC080] =	vst v63  }
0xc4: {  	_ = 	snop  }
0xc5: {  	[tilespmem:s22], [sflag:$0x1] =	stream.indirect_vreg.gather [hbm4b:s5+s2], $0x80, v3, vm0, $0xb8;
	[tilespmem:$0xC080] =	vst v63  }
0xc6: {  	_ = 	snop  }
0xc7: {  	[tilespmem:s23], [sflag:$0x1] =	stream.indirect_vreg.gather [hbm4b:s6+s2], $0x80, v3, vm0, $0xb8;
	[tilespmem:$0xC080] =	vst v63  }
0xc8: {  	_ = 	snop  }
0xc9: {  	[tilespmem:s24], [sflag:$0x1] =	stream.indirect_vreg.gather [hbm4b:s7+s2], $0x80, v3, vm0, $0xb8;
	[tilespmem:$0xC080] =	vst v63  }
0xca: {  	_ = 	snop  }
0xcb: {  	[tilespmem:s25], [sflag:$0x1] =	stream.indirect_vreg.gather [hbm4b:s8+s2], $0x80, v3, vm0, $0xb8;
	[tilespmem:$0xC080] =	vst v63  }
0xcc: {  	s1 =	simm.s32 $0x5880  }
0xcd: {  	[tilespmem:s1], [sflag:$0x1] =	stream.indirect_vreg.gather [hbm4b:s9+s2], $0x80, v3, vm0, $0xb8;
	[tilespmem:$0xC080] =	vst v63  }
0xce: {  	_ =	swait.ge [sflag:s30], $0x6000  }
0xcf: {  	[sflag:s30] =	ssyncset.done $0x0  }
0xd0: {  	s1 =	rddreg [dreg:$0x8];
	[sflag:s30] =	ssyncadd.s32 $0xFFFFA000  }
0xd1: {  	[hbm4b:s1+s2] =	stream.linear.scatter [tilespmem:s17], [sflag:$0x3], $0x6000, $0x38;
	[tilespmem:$0xC080] =	vst v63  }
0xd2: {  	_ =	swait.ge [sflag:s29], $0x6000  }
0xd3: {  	[sflag:s29] =	ssyncset.done $0x0  }
0xd4: {  	[sflag:s29] =	ssyncadd.s32 $0xFFFFA000  }
0xd5: {  	v3 =	vld [tilespmem:$0x50];
	_ =	sdelay $0x4  }
0xd6: {  	v55 =	vshrl.u32 v3, $0x3  }
0xd7: {  	v4 =	vmul.u32 $0x60, v55  }
0xd8: {  	v3 =	vand.u32 $0x7, v3  }
0xd9: {  	v3 =	vor.u32 v3, v4  }
0xda: {  	v4 =	vperm.xlane v3, v0;
	_ =	sdelay $0x1  }
0xdb: {  	v4 =	vadd.s32 v1, v4;
	_ =	sdelay $0x4  }
0xdc: {  	[tilespmem:s31], [sflag:$0x2] =	stream.indirect_vreg.gather [hbm4b:s3+s2], $0x80, v4, vm0, $0xb8;
	[tilespmem:$0xC080] =	vst v63  }
0xdd: {  	s19 =	simm.s32 $0x6880  }
0xde: {  	[tilespmem:s19], [sflag:$0x2] =	stream.indirect_vreg.gather [hbm4b:s5+s2], $0x80, v4, vm0, $0xb8;
	[tilespmem:$0xC080] =	vst v63  }
0xdf: {  	s1 =	simm.s32 $0x7080  }
0xe0: {  	[tilespmem:s1], [sflag:$0x2] =	stream.indirect_vreg.gather [hbm4b:s6+s2], $0x80, v4, vm0, $0xb8;
	[tilespmem:$0xC080] =	vst v63  }
0xe1: {  	v3 =	vperm.xlane v3, v2;
	s1 =	simm.s32 $0x7880  }
0xe2: {  	[tilespmem:s1], [sflag:$0x2] =	stream.indirect_vreg.gather [hbm4b:s7+s2], $0x80, v4, vm0, $0xb8;
	[tilespmem:$0xC080] =	vst v63  }
0xe3: {  	s21 =	simm.s32 $0x8080;
	v3 =	vadd.s32 v1, v3  }
0xe4: {  	[tilespmem:s21], [sflag:$0x2] =	stream.indirect_vreg.gather [hbm4b:s8+s2], $0x80, v4, vm0, $0xb8;
	[tilespmem:$0xC080] =	vst v63  }
0xe5: {  	s1 =	simm.s32 $0x8880  }
0xe6: {  	[tilespmem:s1], [sflag:$0x2] =	stream.indirect_vreg.gather [hbm4b:s9+s2], $0x80, v4, vm0, $0xb8;
	[tilespmem:$0xC080] =	vst v63  }
0xe7: {  	s1 =	simm.s32 $0x9080  }
0xe8: {  	[tilespmem:s1], [sflag:$0x2] =	stream.indirect_vreg.gather [hbm4b:s3+s2], $0x80, v3, vm0, $0xb8;
	[tilespmem:$0xC080] =	vst v63  }
0xe9: {  	s1 =	simm.s32 $0x9880  }
0xea: {  	[tilespmem:s1], [sflag:$0x2] =	stream.indirect_vreg.gather [hbm4b:s5+s2], $0x80, v3, vm0, $0xb8;
	[tilespmem:$0xC080] =	vst v63  }
0xeb: {  	s1 =	simm.s32 $0xA080  }
0xec: {  	[tilespmem:s1], [sflag:$0x2] =	stream.indirect_vreg.gather [hbm4b:s6+s2], $0x80, v3, vm0, $0xb8;
	[tilespmem:$0xC080] =	vst v63  }
0xed: {  	s1 =	simm.s32 $0xA880  }
0xee: {  	[tilespmem:s1], [sflag:$0x2] =	stream.indirect_vreg.gather [hbm4b:s7+s2], $0x80, v3, vm0, $0xb8;
	[tilespmem:$0xC080] =	vst v63  }
0xef: {  	s1 =	simm.s32 $0xB080  }
0xf0: {  	[tilespmem:s1], [sflag:$0x2] =	stream.indirect_vreg.gather [hbm4b:s8+s2], $0x80, v3, vm0, $0xb8;
	[tilespmem:$0xC080] =	vst v63  }
0xf1: {  	s1 =	simm.s32 $0xB880  }
0xf2: {  	[tilespmem:s1], [sflag:$0x2] =	stream.indirect_vreg.gather [hbm4b:s9+s2], $0x80, v3, vm0, $0xb8;
	[tilespmem:$0xC080] =	vst v63  }
0xf3: {  	_ =	swait.ge [sflag:s26], $0x6000  }
0xf4: {  	[sflag:s26] =	ssyncset.done $0x0  }
0xf5: {  	s1 =	rddreg [dreg:$0x9];
	[sflag:s26] =	ssyncadd.s32 $0xFFFFA000  }
0xf6: {  	[hbm4b:s1+s2] =	stream.linear.scatter [tilespmem:s31], [sflag:$0x4], $0x6000, $0x38;
	[tilespmem:$0xC080] =	vst v63  }
0xf7: {  	_ =	swait.ge [sflag:s28], $0x6000  }
0xf8: {  	[sflag:s28] =	ssyncset.done $0x0  }
0xf9: {  	[sflag:s28] =	ssyncadd.s32 $0xFFFFA000  }
0xfa: {  	v3 =	vld [tilespmem:$0x60];
	_ =	sdelay $0x4  }
0xfb: {  	v56 =	vshrl.u32 v3, $0x3  }
0xfc: {  	v4 =	vmul.u32 $0x60, v56  }
0xfd: {  	v3 =	vand.u32 $0x7, v3  }
0xfe: {  	v3 =	vor.u32 v3, v4  }
0xff: {  	v4 =	vperm.xlane v3, v0;
	_ =	sdelay $0x1  }
0x100: {  	v4 =	vadd.s32 v1, v4;
	_ =	sdelay $0x4  }
0x101: {  	[tilespmem:s17], [sflag:$0x1] =	stream.indirect_vreg.gather [hbm4b:s3+s2], $0x80, v4, vm0, $0xb8;
	[tilespmem:$0xC080] =	vst v63  }
0x102: {  	s0 =	simm.s32 $0x880  }
0x103: {  	[tilespmem:s0], [sflag:$0x1] =	stream.indirect_vreg.gather [hbm4b:s5+s2], $0x80, v4, vm0, $0xb8;
	[tilespmem:$0xC080] =	vst v63  }
0x104: {  	s1 =	simm.s32 $0x1080  }
0x105: {  	[tilespmem:s1], [sflag:$0x1] =	stream.indirect_vreg.gather [hbm4b:s6+s2], $0x80, v4, vm0, $0xb8;
	[tilespmem:$0xC080] =	vst v63  }
0x106: {  	v3 =	vperm.xlane v3, v2;
	s1 =	simm.s32 $0x1880  }
0x107: {  	[tilespmem:s1], [sflag:$0x1] =	stream.indirect_vreg.gather [hbm4b:s7+s2], $0x80, v4, vm0, $0xb8;
	[tilespmem:$0xC080] =	vst v63  }
0x108: {  	s15 =	simm.s32 $0x2080;
	v3 =	vadd.s32 v1, v3  }
0x109: {  	[tilespmem:s15], [sflag:$0x1] =	stream.indirect_vreg.gather [hbm4b:s8+s2], $0x80, v4, vm0, $0xb8;
	[tilespmem:$0xC080] =	vst v63  }
0x10a: {  	s16 =	simm.s32 $0x2880  }
0x10b: {  	[tilespmem:s16], [sflag:$0x1] =	stream.indirect_vreg.gather [hbm4b:s9+s2], $0x80, v4, vm0, $0xb8;
	[tilespmem:$0xC080] =	vst v63  }
0x10c: {  	s20 =	simm.s32 $0x3080  }
0x10d: {  	[tilespmem:s20], [sflag:$0x1] =	stream.indirect_vreg.gather [hbm4b:s3+s2], $0x80, v3, vm0, $0xb8;
	[tilespmem:$0xC080] =	vst v63  }
0x10e: {  	s22 =	simm.s32 $0x3880  }
0x10f: {  	[tilespmem:s22], [sflag:$0x1] =	stream.indirect_vreg.gather [hbm4b:s5+s2], $0x80, v3, vm0, $0xb8;
	[tilespmem:$0xC080] =	vst v63  }
0x110: {  	s23 =	simm.s32 $0x4080  }
0x111: {  	[tilespmem:s23], [sflag:$0x1] =	stream.indirect_vreg.gather [hbm4b:s6+s2], $0x80, v3, vm0, $0xb8;
	[tilespmem:$0xC080] =	vst v63  }
0x112: {  	s24 =	simm.s32 $0x4880  }
0x113: {  	[tilespmem:s24], [sflag:$0x1] =	stream.indirect_vreg.gather [hbm4b:s7+s2], $0x80, v3, vm0, $0xb8;
	[tilespmem:$0xC080] =	vst v63  }
0x114: {  	s25 =	simm.s32 $0x5080  }
0x115: {  	[tilespmem:s25], [sflag:$0x1] =	stream.indirect_vreg.gather [hbm4b:s8+s2], $0x80, v3, vm0, $0xb8;
	[tilespmem:$0xC080] =	vst v63  }
0x116: {  	s22 =	simm.s32 $0x5880  }
0x117: {  	[tilespmem:s22], [sflag:$0x1] =	stream.indirect_vreg.gather [hbm4b:s9+s2], $0x80, v3, vm0, $0xb8;
	[tilespmem:$0xC080] =	vst v63  }
0x118: {  	_ =	swait.ge [sflag:s30], $0x6000  }
0x119: {  	[sflag:s30] =	ssyncset.done $0x0  }
0x11a: {  	s22 =	rddreg [dreg:$0xa];
	[sflag:s30] =	ssyncadd.s32 $0xFFFFA000  }
0x11b: {  	[hbm4b:s22+s2] =	stream.linear.scatter [tilespmem:s17], [sflag:$0x3], $0x6000, $0x38;
	[tilespmem:$0xC080] =	vst v63  }
0x11c: {  	_ =	swait.ge [sflag:s29], $0x6000  }
0x11d: {  	[sflag:s29] =	ssyncset.done $0x0  }
0x11e: {  	[sflag:s29] =	ssyncadd.s32 $0xFFFFA000  }
0x11f: {  	v3 =	vld [tilespmem:$0x0];
	_ =	sdelay $0x4  }
0x120: {  	v57 =	vshrl.u32 v3, $0x3  }
0x121: {  	v4 =	vmul.u32 $0x60, v57  }
0x122: {  	v3 =	vand.u32 $0x7, v3  }
0x123: {  	v3 =	vor.u32 v3, v4  }
0x124: {  	v4 =	vperm.xlane v3, v0;
	_ =	sdelay $0x1  }
0x125: {  	v4 =	vadd.s32 v1, v4;
	_ =	sdelay $0x4  }
0x126: {  	[tilespmem:s31], [sflag:$0x2] =	stream.indirect_vreg.gather [hbm4b:s4+s2], $0x80, v4, vm0, $0xb8;
	[tilespmem:$0xC080] =	vst v63  }
0x127: {  	s19 =	simm.s32 $0x6880  }
0x128: {  	[tilespmem:s19], [sflag:$0x2] =	stream.indirect_vreg.gather [hbm4b:s10+s2], $0x80, v4, vm0, $0xb8;
	[tilespmem:$0xC080] =	vst v63  }
0x129: {  	s19 =	simm.s32 $0x7080  }
0x12a: {  	[tilespmem:s19], [sflag:$0x2] =	stream.indirect_vreg.gather [hbm4b:s11+s2], $0x80, v4, vm0, $0xb8;
	[tilespmem:$0xC080] =	vst v63  }
0x12b: {  	v3 =	vperm.xlane v3, v2;
	s19 =	simm.s32 $0x7880  }
0x12c: {  	[tilespmem:s19], [sflag:$0x2] =	stream.indirect_vreg.gather [hbm4b:s12+s2], $0x80, v4, vm0, $0xb8;
	[tilespmem:$0xC080] =	vst v63  }
0x12d: {  	s21 =	simm.s32 $0x8080;
	v3 =	vadd.s32 v1, v3  }
0x12e: {  	[tilespmem:s21], [sflag:$0x2] =	stream.indirect_vreg.gather [hbm4b:s13+s2], $0x80, v4, vm0, $0xb8;
	[tilespmem:$0xC080] =	vst v63  }
0x12f: {  	s21 =	simm.s32 $0x8880  }
0x130: {  	[tilespmem:s21], [sflag:$0x2] =	stream.indirect_vreg.gather [hbm4b:s14+s2], $0x80, v4, vm0, $0xb8;
	[tilespmem:$0xC080] =	vst v63  }
0x131: {  	s1 =	simm.s32 $0x9080  }
0x132: {  	[tilespmem:s1], [sflag:$0x2] =	stream.indirect_vreg.gather [hbm4b:s4+s2], $0x80, v3, vm0, $0xb8;
	[tilespmem:$0xC080] =	vst v63  }
0x133: {  	s1 =	simm.s32 $0x9880  }
0x134: {  	[tilespmem:s1], [sflag:$0x2] =	stream.indirect_vreg.gather [hbm4b:s10+s2], $0x80, v3, vm0, $0xb8;
	[tilespmem:$0xC080] =	vst v63  }
0x135: {  	s1 =	simm.s32 $0xA080  }
0x136: {  	[tilespmem:s1], [sflag:$0x2] =	stream.indirect_vreg.gather [hbm4b:s11+s2], $0x80, v3, vm0, $0xb8;
	[tilespmem:$0xC080] =	vst v63  }
0x137: {  	s1 =	simm.s32 $0xA880  }
0x138: {  	[tilespmem:s1], [sflag:$0x2] =	stream.indirect_vreg.gather [hbm4b:s12+s2], $0x80, v3, vm0, $0xb8;
	[tilespmem:$0xC080] =	vst v63  }
0x139: {  	s1 =	simm.s32 $0xB080  }
0x13a: {  	[tilespmem:s1], [sflag:$0x2] =	stream.indirect_vreg.gather [hbm4b:s13+s2], $0x80, v3, vm0, $0xb8;
	[tilespmem:$0xC080] =	vst v63  }
0x13b: {  	s1 =	simm.s32 $0xB880  }
0x13c: {  	[tilespmem:s1], [sflag:$0x2] =	stream.indirect_vreg.gather [hbm4b:s14+s2], $0x80, v3, vm0, $0xb8;
	[tilespmem:$0xC080] =	vst v63  }
0x13d: {  	_ =	swait.ge [sflag:s26], $0x6000  }
0x13e: {  	[sflag:s26] =	ssyncset.done $0x0  }
0x13f: {  	s1 =	rddreg [dreg:$0xb];
	[sflag:s26] =	ssyncadd.s32 $0xFFFFA000  }
0x140: {  	[hbm4b:s1+s2] =	stream.linear.scatter [tilespmem:s31], [sflag:$0x4], $0x6000, $0x38;
	[tilespmem:$0xC080] =	vst v63  }
0x141: {  	_ =	swait.ge [sflag:s28], $0x6000  }
0x142: {  	[sflag:s28] =	ssyncset.done $0x0  }
0x143: {  	[sflag:s28] =	ssyncadd.s32 $0xFFFFA000  }
0x144: {  	v3 =	vld [tilespmem:$0x10];
	_ =	sdelay $0x4  }
0x145: {  	v58 =	vshrl.u32 v3, $0x3  }
0x146: {  	v4 =	vmul.u32 $0x60, v58  }
0x147: {  	v3 =	vand.u32 $0x7, v3  }
0x148: {  	v3 =	vor.u32 v3, v4  }
0x149: {  	v4 =	vperm.xlane v3, v0;
	_ =	sdelay $0x1  }
0x14a: {  	v4 =	vadd.s32 v1, v4;
	_ =	sdelay $0x4  }
0x14b: {  	[tilespmem:s17], [sflag:$0x1] =	stream.indirect_vreg.gather [hbm4b:s4+s2], $0x80, v4, vm0, $0xb8;
	[tilespmem:$0xC080] =	vst v63  }
0x14c: {  	s1 =	simm.s32 $0x880  }
0x14d: {  	[tilespmem:s1], [sflag:$0x1] =	stream.indirect_vreg.gather [hbm4b:s10+s2], $0x80, v4, vm0, $0xb8;
	[tilespmem:$0xC080] =	vst v63  }
0x14e: {  	s1 =	simm.s32 $0x1080  }
0x14f: {  	[tilespmem:s1], [sflag:$0x1] =	stream.indirect_vreg.gather [hbm4b:s11+s2], $0x80, v4, vm0, $0xb8;
	[tilespmem:$0xC080] =	vst v63  }
0x150: {  	v3 =	vperm.xlane v3, v2;
	s1 =	simm.s32 $0x1880  }
0x151: {  	[tilespmem:s1], [sflag:$0x1] =	stream.indirect_vreg.gather [hbm4b:s12+s2], $0x80, v4, vm0, $0xb8;
	[tilespmem:$0xC080] =	vst v63  }
0x152: {  	s15 =	simm.s32 $0x2080;
	v3 =	vadd.s32 v1, v3  }
0x153: {  	[tilespmem:s15], [sflag:$0x1] =	stream.indirect_vreg.gather [hbm4b:s13+s2], $0x80, v4, vm0, $0xb8;
	[tilespmem:$0xC080] =	vst v63  }
0x154: {  	s16 =	simm.s32 $0x2880  }
0x155: {  	[tilespmem:s16], [sflag:$0x1] =	stream.indirect_vreg.gather [hbm4b:s14+s2], $0x80, v4, vm0, $0xb8;
	[tilespmem:$0xC080] =	vst v63  }
0x156: {  	s0 =	simm.s32 $0x3080  }
0x157: {  	[tilespmem:s0], [sflag:$0x1] =	stream.indirect_vreg.gather [hbm4b:s4+s2], $0x80, v3, vm0, $0xb8;
	[tilespmem:$0xC080] =	vst v63  }
0x158: {  	s20 =	simm.s32 $0x3880  }
0x159: {  	[tilespmem:s20], [sflag:$0x1] =	stream.indirect_vreg.gather [hbm4b:s10+s2], $0x80, v3, vm0, $0xb8;
	[tilespmem:$0xC080] =	vst v63  }
0x15a: {  	s23 =	simm.s32 $0x4080  }
0x15b: {  	[tilespmem:s23], [sflag:$0x1] =	stream.indirect_vreg.gather [hbm4b:s11+s2], $0x80, v3, vm0, $0xb8;
	[tilespmem:$0xC080] =	vst v63  }
0x15c: {  	s24 =	simm.s32 $0x4880  }
0x15d: {  	[tilespmem:s24], [sflag:$0x1] =	stream.indirect_vreg.gather [hbm4b:s12+s2], $0x80, v3, vm0, $0xb8;
	[tilespmem:$0xC080] =	vst v63  }
0x15e: {  	s25 =	simm.s32 $0x5080  }
0x15f: {  	[tilespmem:s25], [sflag:$0x1] =	stream.indirect_vreg.gather [hbm4b:s13+s2], $0x80, v3, vm0, $0xb8;
	[tilespmem:$0xC080] =	vst v63  }
0x160: {  	s16 =	simm.s32 $0x5880  }
0x161: {  	[tilespmem:s16], [sflag:$0x1] =	stream.indirect_vreg.gather [hbm4b:s14+s2], $0x80, v3, vm0, $0xb8;
	[tilespmem:$0xC080] =	vst v63  }
0x162: {  	_ =	swait.ge [sflag:s30], $0x6000  }
0x163: {  	[sflag:s30] =	ssyncset.done $0x0  }
0x164: {  	s23 =	rddreg [dreg:$0xc];
	[sflag:s30] =	ssyncadd.s32 $0xFFFFA000  }
0x165: {  	[hbm4b:s23+s2] =	stream.linear.scatter [tilespmem:s17], [sflag:$0x3], $0x6000, $0x38;
	[tilespmem:$0xC080] =	vst v63  }
0x166: {  	_ =	swait.ge [sflag:s29], $0x6000  }
0x167: {  	[sflag:s29] =	ssyncset.done $0x0  }
0x168: {  	[sflag:s29] =	ssyncadd.s32 $0xFFFFA000  }
0x169: {  	v3 =	vld [tilespmem:$0x20];
	_ =	sdelay $0x4  }
0x16a: {  	v59 =	vshrl.u32 v3, $0x3  }
0x16b: {  	v4 =	vmul.u32 $0x60, v59  }
0x16c: {  	v3 =	vand.u32 $0x7, v3  }
0x16d: {  	v3 =	vor.u32 v3, v4  }
0x16e: {  	v4 =	vperm.xlane v3, v0;
	_ =	sdelay $0x1  }
0x16f: {  	v4 =	vadd.s32 v1, v4;
	_ =	sdelay $0x4  }
0x170: {  	[tilespmem:s31], [sflag:$0x2] =	stream.indirect_vreg.gather [hbm4b:s4+s2], $0x80, v4, vm0, $0xb8;
	[tilespmem:$0xC080] =	vst v63  }
0x171: {  	s22 =	simm.s32 $0x6880  }
0x172: {  	[tilespmem:s22], [sflag:$0x2] =	stream.indirect_vreg.gather [hbm4b:s10+s2], $0x80, v4, vm0, $0xb8;
	[tilespmem:$0xC080] =	vst v63  }
0x173: {  	s24 =	simm.s32 $0x7080  }
0x174: {  	[tilespmem:s24], [sflag:$0x2] =	stream.indirect_vreg.gather [hbm4b:s11+s2], $0x80, v4, vm0, $0xb8;
	[tilespmem:$0xC080] =	vst v63  }
0x175: {  	s25 =	simm.s32 $0x7880;
	v3 =	vperm.xlane v3, v2  }
0x176: {  	[tilespmem:s25], [sflag:$0x2] =	stream.indirect_vreg.gather [hbm4b:s12+s2], $0x80, v4, vm0, $0xb8;
	[tilespmem:$0xC080] =	vst v63  }
0x177: {  	s19 =	simm.s32 $0x8080;
	v3 =	vadd.s32 v1, v3  }
0x178: {  	[tilespmem:s19], [sflag:$0x2] =	stream.indirect_vreg.gather [hbm4b:s13+s2], $0x80, v4, vm0, $0xb8;
	[tilespmem:$0xC080] =	vst v63  }
0x179: {  	s21 =	simm.s32 $0x8880  }
0x17a: {  	[tilespmem:s21], [sflag:$0x2] =	stream.indirect_vreg.gather [hbm4b:s14+s2], $0x80, v4, vm0, $0xb8;
	[tilespmem:$0xC080] =	vst v63  }
0x17b: {  	s1 =	simm.s32 $0x9080  }
0x17c: {  	[tilespmem:s1], [sflag:$0x2] =	stream.indirect_vreg.gather [hbm4b:s4+s2], $0x80, v3, vm0, $0xb8;
	[tilespmem:$0xC080] =	vst v63  }
0x17d: {  	s16 =	simm.s32 $0x9880  }
0x17e: {  	[tilespmem:s16], [sflag:$0x2] =	stream.indirect_vreg.gather [hbm4b:s10+s2], $0x80, v3, vm0, $0xb8;
	[tilespmem:$0xC080] =	vst v63  }
0x17f: {  	s19 =	simm.s32 $0xA080  }
0x180: {  	[tilespmem:s19], [sflag:$0x2] =	stream.indirect_vreg.gather [hbm4b:s11+s2], $0x80, v3, vm0, $0xb8;
	[tilespmem:$0xC080] =	vst v63  }
0x181: {  	s21 =	simm.s32 $0xA880  }
0x182: {  	[tilespmem:s21], [sflag:$0x2] =	stream.indirect_vreg.gather [hbm4b:s12+s2], $0x80, v3, vm0, $0xb8;
	[tilespmem:$0xC080] =	vst v63  }
0x183: {  	s25 =	simm.s32 $0xB080  }
0x184: {  	[tilespmem:s25], [sflag:$0x2] =	stream.indirect_vreg.gather [hbm4b:s13+s2], $0x80, v3, vm0, $0xb8;
	[tilespmem:$0xC080] =	vst v63  }
0x185: {  	s1 =	simm.s32 $0xB880  }
0x186: {  	[tilespmem:s1], [sflag:$0x2] =	stream.indirect_vreg.gather [hbm4b:s14+s2], $0x80, v3, vm0, $0xb8;
	[tilespmem:$0xC080] =	vst v63  }
0x187: {  	_ =	swait.ge [sflag:s26], $0x6000  }
0x188: {  	[sflag:s26] =	ssyncset.done $0x0  }
0x189: {  	s16 =	rddreg [dreg:$0xd];
	[sflag:s26] =	ssyncadd.s32 $0xFFFFA000  }
0x18a: {  	[hbm4b:s16+s2] =	stream.linear.scatter [tilespmem:s31], [sflag:$0x4], $0x6000, $0x38;
	[tilespmem:$0xC080] =	vst v63  }
0x18b: {  	_ =	swait.ge [sflag:s28], $0x6000  }
0x18c: {  	[sflag:s28] =	ssyncset.done $0x0  }
0x18d: {  	[sflag:s28] =	ssyncadd.s32 $0xFFFFA000  }
0x18e: {  	v3 =	vld [tilespmem:$0x30];
	_ =	sdelay $0x4  }
0x18f: {  	v60 =	vshrl.u32 v3, $0x3  }
0x190: {  	v4 =	vmul.u32 $0x60, v60  }
0x191: {  	v3 =	vand.u32 $0x7, v3  }
0x192: {  	v3 =	vor.u32 v3, v4  }
0x193: {  	v4 =	vperm.xlane v3, v0;
	_ =	sdelay $0x1  }
0x194: {  	v4 =	vadd.s32 v1, v4;
	_ =	sdelay $0x4  }
0x195: {  	[tilespmem:s17], [sflag:$0x1] =	stream.indirect_vreg.gather [hbm4b:s4+s2], $0x80, v4, vm0, $0xb8;
	[tilespmem:$0xC080] =	vst v63  }
0x196: {  	s19 =	simm.s32 $0x880  }
0x197: {  	[tilespmem:s19], [sflag:$0x1] =	stream.indirect_vreg.gather [hbm4b:s10+s2], $0x80, v4, vm0, $0xb8;
	[tilespmem:$0xC080] =	vst v63  }
0x198: {  	s21 =	simm.s32 $0x1080  }
0x199: {  	[tilespmem:s21], [sflag:$0x1] =	stream.indirect_vreg.gather [hbm4b:s11+s2], $0x80, v4, vm0, $0xb8;
	[tilespmem:$0xC080] =	vst v63  }
0x19a: {  	s25 =	simm.s32 $0x1880;
	v3 =	vperm.xlane v3, v2  }
0x19b: {  	[tilespmem:s25], [sflag:$0x1] =	stream.indirect_vreg.gather [hbm4b:s12+s2], $0x80, v4, vm0, $0xb8;
	[tilespmem:$0xC080] =	vst v63  }
0x19c: {  	s16 =	simm.s32 $0x2080;
	v3 =	vadd.s32 v1, v3  }
0x19d: {  	[tilespmem:s16], [sflag:$0x1] =	stream.indirect_vreg.gather [hbm4b:s13+s2], $0x80, v4, vm0, $0xb8;
	[tilespmem:$0xC080] =	vst v63  }
0x19e: {  	s19 =	simm.s32 $0x2880  }
0x19f: {  	[tilespmem:s19], [sflag:$0x1] =	stream.indirect_vreg.gather [hbm4b:s14+s2], $0x80, v4, vm0, $0xb8;
	[tilespmem:$0xC080] =	vst v63  }
0x1a0: {  	s15 =	simm.s32 $0x3080  }
0x1a1: {  	[tilespmem:s15], [sflag:$0x1] =	stream.indirect_vreg.gather [hbm4b:s4+s2], $0x80, v3, vm0, $0xb8;
	[tilespmem:$0xC080] =	vst v63  }
0x1a2: {  	s20 =	simm.s32 $0x3880  }
0x1a3: {  	[tilespmem:s20], [sflag:$0x1] =	stream.indirect_vreg.gather [hbm4b:s10+s2], $0x80, v3, vm0, $0xb8;
	[tilespmem:$0xC080] =	vst v63  }
0x1a4: {  	s21 =	simm.s32 $0x4080  }
0x1a5: {  	[tilespmem:s21], [sflag:$0x1] =	stream.indirect_vreg.gather [hbm4b:s11+s2], $0x80, v3, vm0, $0xb8;
	[tilespmem:$0xC080] =	vst v63  }
0x1a6: {  	s25 =	simm.s32 $0x4880  }
0x1a7: {  	[tilespmem:s25], [sflag:$0x1] =	stream.indirect_vreg.gather [hbm4b:s12+s2], $0x80, v3, vm0, $0xb8;
	[tilespmem:$0xC080] =	vst v63  }
0x1a8: {  	s1 =	simm.s32 $0x5080  }
0x1a9: {  	[tilespmem:s1], [sflag:$0x1] =	stream.indirect_vreg.gather [hbm4b:s13+s2], $0x80, v3, vm0, $0xb8;
	[tilespmem:$0xC080] =	vst v63  }
0x1aa: {  	s1 =	simm.s32 $0x5880  }
0x1ab: {  	[tilespmem:s1], [sflag:$0x1] =	stream.indirect_vreg.gather [hbm4b:s14+s2], $0x80, v3, vm0, $0xb8;
	[tilespmem:$0xC080] =	vst v63  }
0x1ac: {  	_ =	swait.ge [sflag:s30], $0x6000  }
0x1ad: {  	[sflag:s30] =	ssyncset.done $0x0  }
0x1ae: {  	s1 =	rddreg [dreg:$0xe];
	[sflag:s30] =	ssyncadd.s32 $0xFFFFA000  }
0x1af: {  	[hbm4b:s1+s2] =	stream.linear.scatter [tilespmem:s17], [sflag:$0x3], $0x6000, $0x38;
	[tilespmem:$0xC080] =	vst v63  }
0x1b0: {  	_ =	swait.ge [sflag:s29], $0x6000  }
0x1b1: {  	[sflag:s29] =	ssyncset.done $0x0  }
0x1b2: {  	[sflag:s29] =	ssyncadd.s32 $0xFFFFA000  }
0x1b3: {  	v3 =	vld [tilespmem:$0x40];
	_ =	sdelay $0x4  }
0x1b4: {  	v61 =	vshrl.u32 v3, $0x3  }
0x1b5: {  	v4 =	vmul.u32 $0x60, v61  }
0x1b6: {  	v3 =	vand.u32 $0x7, v3  }
0x1b7: {  	v3 =	vor.u32 v3, v4  }
0x1b8: {  	v4 =	vperm.xlane v3, v0;
	_ =	sdelay $0x1  }
0x1b9: {  	v4 =	vadd.s32 v1, v4;
	_ =	sdelay $0x4  }
0x1ba: {  	[tilespmem:s31], [sflag:$0x2] =	stream.indirect_vreg.gather [hbm4b:s4+s2], $0x80, v4, vm0, $0xb8;
	[tilespmem:$0xC080] =	vst v63  }
0x1bb: {  	s23 =	simm.s32 $0x6880  }
0x1bc: {  	[tilespmem:s23], [sflag:$0x2] =	stream.indirect_vreg.gather [hbm4b:s10+s2], $0x80, v4, vm0, $0xb8;
	[tilespmem:$0xC080] =	vst v63  }
0x1bd: {  	s1 =	simm.s32 $0x7080  }
0x1be: {  	[tilespmem:s1], [sflag:$0x2] =	stream.indirect_vreg.gather [hbm4b:s11+s2], $0x80, v4, vm0, $0xb8;
	[tilespmem:$0xC080] =	vst v63  }
0x1bf: {  	v3 =	vperm.xlane v3, v2;
	s1 =	simm.s32 $0x7880  }
0x1c0: {  	[tilespmem:s1], [sflag:$0x2] =	stream.indirect_vreg.gather [hbm4b:s12+s2], $0x80, v4, vm0, $0xb8;
	[tilespmem:$0xC080] =	vst v63  }
0x1c1: {  	s22 =	simm.s32 $0x8080;
	v3 =	vadd.s32 v1, v3  }
0x1c2: {  	[tilespmem:s22], [sflag:$0x2] =	stream.indirect_vreg.gather [hbm4b:s13+s2], $0x80, v4, vm0, $0xb8;
	[tilespmem:$0xC080] =	vst v63  }
0x1c3: {  	s24 =	simm.s32 $0x8880  }
0x1c4: {  	[tilespmem:s24], [sflag:$0x2] =	stream.indirect_vreg.gather [hbm4b:s14+s2], $0x80, v4, vm0, $0xb8;
	[tilespmem:$0xC080] =	vst v63  }
0x1c5: {  	s1 =	simm.s32 $0x9080  }
0x1c6: {  	[tilespmem:s1], [sflag:$0x2] =	stream.indirect_vreg.gather [hbm4b:s4+s2], $0x80, v3, vm0, $0xb8;
	[tilespmem:$0xC080] =	vst v63  }
0x1c7: {  	s1 =	simm.s32 $0x9880  }
0x1c8: {  	[tilespmem:s1], [sflag:$0x2] =	stream.indirect_vreg.gather [hbm4b:s10+s2], $0x80, v3, vm0, $0xb8;
	[tilespmem:$0xC080] =	vst v63  }
0x1c9: {  	s1 =	simm.s32 $0xA080  }
0x1ca: {  	[tilespmem:s1], [sflag:$0x2] =	stream.indirect_vreg.gather [hbm4b:s11+s2], $0x80, v3, vm0, $0xb8;
	[tilespmem:$0xC080] =	vst v63  }
0x1cb: {  	s1 =	simm.s32 $0xA880  }
0x1cc: {  	[tilespmem:s1], [sflag:$0x2] =	stream.indirect_vreg.gather [hbm4b:s12+s2], $0x80, v3, vm0, $0xb8;
	[tilespmem:$0xC080] =	vst v63  }
0x1cd: {  	s1 =	simm.s32 $0xB080  }
0x1ce: {  	[tilespmem:s1], [sflag:$0x2] =	stream.indirect_vreg.gather [hbm4b:s13+s2], $0x80, v3, vm0, $0xb8;
	[tilespmem:$0xC080] =	vst v63  }
0x1cf: {  	s1 =	simm.s32 $0xB880  }
0x1d0: {  	[tilespmem:s1], [sflag:$0x2] =	stream.indirect_vreg.gather [hbm4b:s14+s2], $0x80, v3, vm0, $0xb8;
	[tilespmem:$0xC080] =	vst v63  }
0x1d1: {  	_ =	swait.ge [sflag:s26], $0x6000  }
0x1d2: {  	[sflag:s26] =	ssyncset.done $0x0  }
0x1d3: {  	s1 =	rddreg [dreg:$0xf];
	[sflag:s26] =	ssyncadd.s32 $0xFFFFA000  }
0x1d4: {  	[hbm4b:s1+s2] =	stream.linear.scatter [tilespmem:s31], [sflag:$0x4], $0x6000, $0x38;
	[tilespmem:$0xC080] =	vst v63  }
0x1d5: {  	_ =	swait.ge [sflag:s28], $0x6000  }
0x1d6: {  	[sflag:s28] =	ssyncset.done $0x0  }
0x1d7: {  	[sflag:s28] =	ssyncadd.s32 $0xFFFFA000  }
0x1d8: {  	v3 =	vld [tilespmem:$0x50];
	_ =	sdelay $0x4  }
0x1d9: {  	v62 =	vshrl.u32 v3, $0x3  }
0x1da: {  	v4 =	vmul.u32 $0x60, v62  }
0x1db: {  	v3 =	vand.u32 $0x7, v3  }
0x1dc: {  	v3 =	vor.u32 v3, v4  }
0x1dd: {  	v4 =	vperm.xlane v3, v0;
	_ =	sdelay $0x1  }
0x1de: {  	v4 =	vadd.s32 v1, v4;
	_ =	sdelay $0x4  }
0x1df: {  	[tilespmem:s17], [sflag:$0x1] =	stream.indirect_vreg.gather [hbm4b:s4+s2], $0x80, v4, vm0, $0xb8;
	[tilespmem:$0xC080] =	vst v63  }
0x1e0: {  	s0 =	simm.s32 $0x880  }
0x1e1: {  	[tilespmem:s0], [sflag:$0x1] =	stream.indirect_vreg.gather [hbm4b:s10+s2], $0x80, v4, vm0, $0xb8;
	[tilespmem:$0xC080] =	vst v63  }
0x1e2: {  	s1 =	simm.s32 $0x1080  }
0x1e3: {  	[tilespmem:s1], [sflag:$0x1] =	stream.indirect_vreg.gather [hbm4b:s11+s2], $0x80, v4, vm0, $0xb8;
	[tilespmem:$0xC080] =	vst v63  }
0x1e4: {  	v3 =	vperm.xlane v3, v2;
	s1 =	simm.s32 $0x1880  }
0x1e5: {  	[tilespmem:s1], [sflag:$0x1] =	stream.indirect_vreg.gather [hbm4b:s12+s2], $0x80, v4, vm0, $0xb8;
	[tilespmem:$0xC080] =	vst v63  }
0x1e6: {  	s16 =	simm.s32 $0x2080;
	v3 =	vadd.s32 v1, v3  }
0x1e7: {  	[tilespmem:s16], [sflag:$0x1] =	stream.indirect_vreg.gather [hbm4b:s13+s2], $0x80, v4, vm0, $0xb8;
	[tilespmem:$0xC080] =	vst v63  }
0x1e8: {  	s19 =	simm.s32 $0x2880  }
0x1e9: {  	[tilespmem:s19], [sflag:$0x1] =	stream.indirect_vreg.gather [hbm4b:s14+s2], $0x80, v4, vm0, $0xb8;
	[tilespmem:$0xC080] =	vst v63  }
0x1ea: {  	s15 =	simm.s32 $0x3080  }
0x1eb: {  	[tilespmem:s15], [sflag:$0x1] =	stream.indirect_vreg.gather [hbm4b:s4+s2], $0x80, v3, vm0, $0xb8;
	[tilespmem:$0xC080] =	vst v63  }
0x1ec: {  	s20 =	simm.s32 $0x3880  }
0x1ed: {  	[tilespmem:s20], [sflag:$0x1] =	stream.indirect_vreg.gather [hbm4b:s10+s2], $0x80, v3, vm0, $0xb8;
	[tilespmem:$0xC080] =	vst v63  }
0x1ee: {  	s21 =	simm.s32 $0x4080  }
0x1ef: {  	[tilespmem:s21], [sflag:$0x1] =	stream.indirect_vreg.gather [hbm4b:s11+s2], $0x80, v3, vm0, $0xb8;
	[tilespmem:$0xC080] =	vst v63  }
0x1f0: {  	s25 =	simm.s32 $0x4880  }
0x1f1: {  	[tilespmem:s25], [sflag:$0x1] =	stream.indirect_vreg.gather [hbm4b:s12+s2], $0x80, v3, vm0, $0xb8;
	[tilespmem:$0xC080] =	vst v63  }
0x1f2: {  	s21 =	simm.s32 $0x5080  }
0x1f3: {  	[tilespmem:s21], [sflag:$0x1] =	stream.indirect_vreg.gather [hbm4b:s13+s2], $0x80, v3, vm0, $0xb8;
	[tilespmem:$0xC080] =	vst v63  }
0x1f4: {  	s25 =	simm.s32 $0x5880  }
0x1f5: {  	[tilespmem:s25], [sflag:$0x1] =	stream.indirect_vreg.gather [hbm4b:s14+s2], $0x80, v3, vm0, $0xb8;
	[tilespmem:$0xC080] =	vst v63  }
0x1f6: {  	_ =	swait.ge [sflag:s30], $0x6000  }
0x1f7: {  	[sflag:s30] =	ssyncset.done $0x0  }
0x1f8: {  	s0 =	rddreg [dreg:$0x10];
	[sflag:s30] =	ssyncadd.s32 $0xFFFFA000  }
0x1f9: {  	[hbm4b:s0+s2] =	stream.linear.scatter [tilespmem:s17], [sflag:$0x3], $0x6000, $0x38;
	[tilespmem:$0xC080] =	vst v63  }
0x1fa: {  	_ =	swait.ge [sflag:s29], $0x6000  }
0x1fb: {  	[sflag:s29] =	ssyncset.done $0x0  }
0x1fc: {  	[sflag:s29] =	ssyncadd.s32 $0xFFFFA000  }
0x1fd: {  	v3 =	vld [tilespmem:$0x60];
	_ =	sdelay $0x4  }
0x1fe: {  	v63 =	vshrl.u32 v3, $0x3  }
0x1ff: {  	v4 =	vmul.u32 $0x60, v63  }
0x200: {  	v3 =	vand.u32 $0x7, v3  }
0x201: {  	v3 =	vor.u32 v3, v4  }
0x202: {  	v4 =	vperm.xlane v3, v0;
	_ =	sdelay $0x1  }
0x203: {  	v4 =	vadd.s32 v1, v4;
	_ =	sdelay $0x4  }
0x204: {  	[tilespmem:s31], [sflag:$0x2] =	stream.indirect_vreg.gather [hbm4b:s4+s2], $0x80, v4, vm0, $0xb8;
	[tilespmem:$0xC080] =	vst v63  }
0x205: {  	s23 =	simm.s32 $0x6880  }
0x206: {  	[tilespmem:s23], [sflag:$0x2] =	stream.indirect_vreg.gather [hbm4b:s10+s2], $0x80, v4, vm0, $0xb8;
	[tilespmem:$0xC080] =	vst v63  }
0x207: {  	s15 =	simm.s32 $0x7080  }
0x208: {  	[tilespmem:s15], [sflag:$0x2] =	stream.indirect_vreg.gather [hbm4b:s11+s2], $0x80, v4, vm0, $0xb8;
	[tilespmem:$0xC080] =	vst v63  }
0x209: {  	s16 =	simm.s32 $0x7880;
	v3 =	vperm.xlane v3, v2  }
0x20a: {  	[tilespmem:s16], [sflag:$0x2] =	stream.indirect_vreg.gather [hbm4b:s12+s2], $0x80, v4, vm0, $0xb8;
	[tilespmem:$0xC080] =	vst v63  }
0x20b: {  	s22 =	simm.s32 $0x8080;
	v3 =	vadd.s32 v1, v3  }
0x20c: {  	[tilespmem:s22], [sflag:$0x2] =	stream.indirect_vreg.gather [hbm4b:s13+s2], $0x80, v4, vm0, $0xb8;
	[tilespmem:$0xC080] =	vst v63  }
0x20d: {  	s24 =	simm.s32 $0x8880  }
0x20e: {  	[tilespmem:s24], [sflag:$0x2] =	stream.indirect_vreg.gather [hbm4b:s14+s2], $0x80, v4, vm0, $0xb8;
	[tilespmem:$0xC080] =	vst v63  }
0x20f: {  	s19 =	simm.s32 $0x9080  }
0x210: {  	[tilespmem:s19], [sflag:$0x2] =	stream.indirect_vreg.gather [hbm4b:s4+s2], $0x80, v3, vm0, $0xb8;
	[tilespmem:$0xC080] =	vst v63  }
0x211: {  	s20 =	simm.s32 $0x9880  }
0x212: {  	[tilespmem:s20], [sflag:$0x2] =	stream.indirect_vreg.gather [hbm4b:s10+s2], $0x80, v3, vm0, $0xb8;
	[tilespmem:$0xC080] =	vst v63  }
0x213: {  	s21 =	simm.s32 $0xA080  }
0x214: {  	[tilespmem:s21], [sflag:$0x2] =	stream.indirect_vreg.gather [hbm4b:s11+s2], $0x80, v3, vm0, $0xb8;
	[tilespmem:$0xC080] =	vst v63  }
0x215: {  	s22 =	simm.s32 $0xA880  }
0x216: {  	[tilespmem:s22], [sflag:$0x2] =	stream.indirect_vreg.gather [hbm4b:s12+s2], $0x80, v3, vm0, $0xb8;
	[tilespmem:$0xC080] =	vst v63  }
0x217: {  	s23 =	simm.s32 $0xB080  }
0x218: {  	[tilespmem:s23], [sflag:$0x2] =	stream.indirect_vreg.gather [hbm4b:s13+s2], $0x80, v3, vm0, $0xb8;
	[tilespmem:$0xC080] =	vst v63  }
0x219: {  	s24 =	simm.s32 $0xB880  }
0x21a: {  	[tilespmem:s24], [sflag:$0x2] =	stream.indirect_vreg.gather [hbm4b:s14+s2], $0x80, v3, vm0, $0xb8;
	[tilespmem:$0xC080] =	vst v63  }
0x21b: {  	_ =	swait.ge [sflag:s26], $0x6000  }
0x21c: {  	[sflag:s26] =	ssyncset.done $0x0  }
0x21d: {  	s25 =	rddreg [dreg:$0x11];
	[sflag:s26] =	ssyncadd.s32 $0xFFFFA000  }
0x21e: {  	[hbm4b:s25+s2] =	stream.linear.scatter [tilespmem:s31], [sflag:$0x4], $0x6000, $0x38;
	[tilespmem:$0xC080] =	vst v63  }
0x21f: {  	p0 =	sne.s32 s18, $0x1;
	_ =	swait.ge [sflag:s28], $0x6000  }
.Ltmp0:
0x220: {  	[sflag:s28] =	ssyncset.done $0x0;
	(pc) =	sbr.rel @p0 .LBB2_1-.Ltmp0, $4  }
0x221: {  	[sflag:s28] =	ssyncadd.s32 $0xFFFFA000  }
0x222: {  	_ =	swait.ge [sflag:s29], $0x6000  }
0x223: {  	[sflag:s29] =	ssyncset.done $0x0  }
0x224: {  	s18 =	sadd.s32 $0xFFFFFFFF, s18;
	[sflag:s29] =	ssyncadd.s32 $0xFFFFA000  }
0x225: {  	_ =	sfence.sel $0x180000  }
0x226: {  	[bflag:$0x0] =	sbarrier.arrive $0xFFFF  }
0x227: {  	_ =	strace $0x90000047  }
0x228: {  	s0 =	stileid.u32;
	[bflag:$0x2] =	sbarrier.arrive $0xFFFF  }
0x229: {  	p0 =	sne.s32 s0, $0x0;
	s0 =	rddreg [dreg:$0x2]  }
0x22a: {  	s0 =	sadd.s32 @!p0 $0x100000, s0  }
0x22b: {  	[sflag:s0] =	ssyncadd.tile.s32 @!p0 $0x1;
	_ =	shalt  }
.Lfunc_end2:
_tile_overlayer_lowered:
.L_overlay_start_2:
0x22c: {  	(tag) =	ssettag $0x2  }
0x22d: {  	s0 =	rddreg [dreg:$0x0];
	s2 =	stileid.u32  }
0x22e: {  	s1 =	rddreg [dreg:$0x1];
	p0 =	sne.s32 s2, $0x0  }
0x22f: {  	s3 =	rddreg [dreg:$0x2];
	[bflag:$0x3] =	sbarrier.arrive $0xFFFF;
	s2 =	simm.s32 @!p0 $0x1C05  }
0x230: {  	[timem:s3], [sflag:s2] =	dma.local @!p0 [hbm:s0], s1  }
0x231: {  	s0 =	simm.s32 @!p0 $0x5  }
0x232: {  	_ =	swait.ge @!p0 [sflag:s0], s1  }
0x233: {  	s1 =	ssub.s32 @!p0 $0x0, s1;
	[sflag:s0] =	ssyncset.done @!p0 $0x0  }
0x234: {  	[sflag:s0] =	ssyncadd.s32 @!p0 s1  }
0x235: {  	[bflag:$0x3] =	sbarrier.arrive $0xFFFF  }
0x236: {  	_ =	shalt  }

</sc_bundles>
